<compile_context>
chip_gen: v7x
topology: tpu7x:2x2x1
jax: 0.10.2.dev20260603
libtpu: 0.0.44.dev20260713+nightly
codegen_flags: <defaults>
</compile_context>

<pallas_src>
import jax
import jax.numpy as jnp
from jax import lax
from jax.experimental import pallas as pl
from jax.experimental.pallas import tpu as pltpu
from jax.experimental.pallas import tpu_sc as plsc

NC = 2
NS = 16
NW = NC * NS

VOCAB = 194
DIM = 128
B_TOTAL = 4096 * 200
B_PER_W = B_TOTAL // NW
CHUNK = 80
N_CHUNKS = B_PER_W // CHUNK
NBUF = 8
G = 3

_STEADY_LO = NBUF - G
_N_GROUPS = (N_CHUNKS - NBUF) // NBUF
_STEADY_HI = _STEADY_LO + _N_GROUPS * NBUF


def _body(table_hbm, idx_hbm, out_hbm, idx_v, *rest):
    rows = rest[:NBUF]
    table_sh = rest[NBUF]
    gsem = rest[NBUF + 1:2 * NBUF + 1]
    osem = rest[2 * NBUF + 1:]

    cid = lax.axis_index("c")
    sid = lax.axis_index("s")
    wid = sid * NC + cid
    out_base = wid * B_PER_W

    @pl.when(sid == 0)
    def _():
        pltpu.sync_copy(table_hbm, table_sh)

    plsc.subcore_barrier()

    pltpu.sync_copy(idx_hbm.at[pl.ds(wid * N_CHUNKS, N_CHUNKS)], idx_v)

    def start_gather(j, b):
        pltpu.make_async_copy(table_sh.at[idx_v.at[j]], rows[b], gsem[b]).start()

    def wait_gather(j, b):
        pltpu.make_async_copy(table_sh.at[idx_v.at[j]], rows[b], gsem[b]).wait()

    def start_out(j, b):
        pltpu.make_async_copy(
            rows[b], out_hbm.at[pl.ds(out_base + j * CHUNK, CHUNK)], osem[b]
        ).start()

    def wait_out(j, b):
        pltpu.make_async_copy(
            rows[b], out_hbm.at[pl.ds(out_base + j * CHUNK, CHUNK)], osem[b]
        ).wait()

    for b in range(G):
        start_gather(b, b)
    for j in range(_STEADY_LO):
        wait_gather(j, j)
        start_out(j, j)
        start_gather(j + G, (j + G) % NBUF)

    def group(g, _):
        j0 = _STEADY_LO + g * NBUF
        for b in range(NBUF):
            j = j0 + b
            wb = (_STEADY_LO + b) % NBUF
            wait_out(j - G, b)
            start_gather(j + G, b)
            wait_gather(j, wb)
            start_out(j, wb)
        return 0

    lax.fori_loop(0, _N_GROUPS, group, 0)

    for j in range(_STEADY_HI, N_CHUNKS):
        if j + G < N_CHUNKS:
            wait_out(j - G, (j + G) % NBUF)
            start_gather(j + G, (j + G) % NBUF)
        wait_gather(j, j % NBUF)
        start_out(j, j % NBUF)
    for j in range(N_CHUNKS - NBUF, N_CHUNKS):
        wait_out(j, j % NBUF)


def kernel(substructure_indices, embedding_table):
    idx2d = substructure_indices.astype(jnp.int32).reshape(NW * N_CHUNKS, CHUNK)
    mesh = plsc.VectorSubcoreMesh(core_axis_name="c", subcore_axis_name="s")
    out = pl.kernel(
        _body,
        out_type=jax.ShapeDtypeStruct((B_TOTAL, DIM), jnp.float32),
        mesh=mesh,
        scratch_types=[
            pltpu.VMEM((N_CHUNKS, CHUNK), jnp.int32),
            *[pltpu.VMEM((CHUNK, DIM), jnp.float32) for _ in range(NBUF)],
            pltpu.VMEM_SHARED((VOCAB, DIM), jnp.float32),
            *[pltpu.SemaphoreType.DMA for _ in range(2 * NBUF)],
        ],
    )(embedding_table, idx2d)
    return out.reshape(4096, 200, DIM)

# --- scband reference (transcript-rebuilt; emitter-appended) ---
"""Pipeline reference for scband-substructure-embedding-layer-89962384982524 (READ-ONLY COPY).

The authoritative reference and input builder live on the scoring server;
editing this copy changes nothing except your own understanding.
"""

import jax, jax.numpy as jnp
import numpy as np

NUM_SUBSTRUCTURES = 194
EMBEDDING_DIM = 128

def setup_inputs(seed: int = 0) -> dict:
    key = jax.random.key(seed)
    k_idx, k_tab = jax.random.split(key)
    substructure_indices = jax.random.randint(k_idx, (4096, 200), 0, NUM_SUBSTRUCTURES, dtype=jnp.int64 if jax.config.jax_enable_x64 else jnp.int32)
    embedding_table = jax.random.normal(k_tab, (NUM_SUBSTRUCTURES, EMBEDDING_DIM), dtype=jnp.float32)
    return {"substructure_indices": substructure_indices, "embedding_table": embedding_table}

def reference(substructure_indices, embedding_table):
    # nn.Embedding forward: gather rows of the table by index
    return jnp.take(embedding_table, substructure_indices, axis=0)

if __name__ == "__main__":
    import jax
    _d = setup_inputs()
    print(jax.jit(kernel)(*tuple(_d.values())))

</pallas_src>

<mosaic_0001>
#map = affine_map<(d0, d1) -> (0, 0)>
module attributes {stable_mosaic.version = 14 : i64} {
  func.func @_body(%arg0: i32, %arg1: i32, %arg2: memref<194x128xf32, #tpu.memory_space<hbm>>, %arg3: memref<10240x80xi32, #tpu.memory_space<hbm>>, %arg4: memref<819200x128xf32, #tpu.memory_space<hbm>>, %arg5: memref<320x80xi32, #tpu.memory_space<vmem>>, %arg6: memref<80x128xf32, #tpu.memory_space<vmem>>, %arg7: memref<80x128xf32, #tpu.memory_space<vmem>>, %arg8: memref<80x128xf32, #tpu.memory_space<vmem>>, %arg9: memref<80x128xf32, #tpu.memory_space<vmem>>, %arg10: memref<80x128xf32, #tpu.memory_space<vmem>>, %arg11: memref<80x128xf32, #tpu.memory_space<vmem>>, %arg12: memref<80x128xf32, #tpu.memory_space<vmem>>, %arg13: memref<80x128xf32, #tpu.memory_space<vmem>>, %arg14: memref<194x128xf32, #tpu.memory_space<vmem_shared>>, %arg15: memref<!tpu.dma_semaphore, #tpu.memory_space<semaphore_mem>>, %arg16: memref<!tpu.dma_semaphore, #tpu.memory_space<semaphore_mem>>, %arg17: memref<!tpu.dma_semaphore, #tpu.memory_space<semaphore_mem>>, %arg18: memref<!tpu.dma_semaphore, #tpu.memory_space<semaphore_mem>>, %arg19: memref<!tpu.dma_semaphore, #tpu.memory_space<semaphore_mem>>, %arg20: memref<!tpu.dma_semaphore, #tpu.memory_space<semaphore_mem>>, %arg21: memref<!tpu.dma_semaphore, #tpu.memory_space<semaphore_mem>>, %arg22: memref<!tpu.dma_semaphore, #tpu.memory_space<semaphore_mem>>, %arg23: memref<!tpu.dma_semaphore, #tpu.memory_space<semaphore_mem>>, %arg24: memref<!tpu.dma_semaphore, #tpu.memory_space<semaphore_mem>>, %arg25: memref<!tpu.dma_semaphore, #tpu.memory_space<semaphore_mem>>, %arg26: memref<!tpu.dma_semaphore, #tpu.memory_space<semaphore_mem>>, %arg27: memref<!tpu.dma_semaphore, #tpu.memory_space<semaphore_mem>>, %arg28: memref<!tpu.dma_semaphore, #tpu.memory_space<semaphore_mem>>, %arg29: memref<!tpu.dma_semaphore, #tpu.memory_space<semaphore_mem>>, %arg30: memref<!tpu.dma_semaphore, #tpu.memory_space<semaphore_mem>>) attributes {dimension_semantics = [#tpu.dimension_semantics<core_parallel>, #tpu.dimension_semantics<subcore_parallel>], iteration_bounds = array<i64: 2, 16>, scalar_prefetch = 0 : i64, scratch_operands = 26 : i64, tpu.core_type = #tpu.core_type<sc_vector_subcore>, window_params = [{transform_indices = #map}, {transform_indices = #map}, {transform_indices = #map}]} {
    %mul3A = arith.constant 2 : i32
    %mul3A_0 = arith.muli %arg1, %mul3A : i32
    %add3A = arith.addi %mul3A_0, %arg0 : i32
    %mul3A_1 = arith.constant 25600 : i32
    %mul3A_2 = arith.muli %add3A, %mul3A_1 : i32
    %eq3A = arith.constant 0 : i32
    %eq3A_3 = arith.cmpi eq, %arg1, %eq3A : i32
    %convert_element_type3A = arith.extui %eq3A_3 : i1 to i32
    %cond3A = arith.constant 0 : i32
    %cond3A_4 = arith.cmpi ne, %convert_element_type3A, %cond3A : i32
    scf.if %cond3A_4 {
      "tpu.region"() ({
        %run_scoped3A = tpu.sem_alloc : memref<!tpu.dma_semaphore, #tpu.memory_space<semaphore_mem>>
        tpu.enqueue_dma source(%arg2 : memref<194x128xf32, #tpu.memory_space<hbm>>) target(%arg14 : memref<194x128xf32, #tpu.memory_space<vmem_shared>>) target_semaphore(%run_scoped3A : memref<!tpu.dma_semaphore, #tpu.memory_space<semaphore_mem>>)
        tpu.wait_dma2 semaphore(%run_scoped3A : memref<!tpu.dma_semaphore, #tpu.memory_space<semaphore_mem>>) src(%arg2 : memref<194x128xf32, #tpu.memory_space<hbm>>) dst(%arg14 : memref<194x128xf32, #tpu.memory_space<vmem_shared>>)
        tpu.yield
      }) : () -> ()
    } else {
    }
    %barrier3A = arith.constant 0 : index
    tpu.barrier barrier_id(%barrier3A)
    %mul3A_5 = arith.constant 320 : i32
    %mul3A_6 = arith.muli %add3A, %mul3A_5 : i32
    "tpu.region"() ({
      %run_scoped3A = tpu.sem_alloc : memref<!tpu.dma_semaphore, #tpu.memory_space<semaphore_mem>>
      %dma_start3A_219 = arith.constant 0 : i32
      %dma_start3A_220 = tpu.memref_slice %arg3[%mul3A_6, %dma_start3A_219] : memref<10240x80xi32, #tpu.memory_space<hbm>> -> memref<320x80xi32, #tpu.memory_space<hbm>>
      %dma_start3A_221 = arith.constant 0 : i32
      %dma_start3A_222 = tpu.memref_slice %arg3[%mul3A_6, %dma_start3A_221] : memref<10240x80xi32, #tpu.memory_space<hbm>> -> memref<320x80xi32, #tpu.memory_space<hbm>>
      tpu.enqueue_dma source(%dma_start3A_222 : memref<320x80xi32, #tpu.memory_space<hbm>>) target(%arg5 : memref<320x80xi32, #tpu.memory_space<vmem>>) target_semaphore(%run_scoped3A : memref<!tpu.dma_semaphore, #tpu.memory_space<semaphore_mem>>)
      %dma_wait3A_223 = arith.constant 0 : i32
      %dma_wait3A_224 = tpu.memref_slice %arg3[%mul3A_6, %dma_wait3A_223] : memref<10240x80xi32, #tpu.memory_space<hbm>> -> memref<320x80xi32, #tpu.memory_space<hbm>>
      %dma_wait3A_225 = arith.constant 0 : i32
      %dma_wait3A_226 = tpu.memref_slice %arg3[%mul3A_6, %dma_wait3A_225] : memref<10240x80xi32, #tpu.memory_space<hbm>> -> memref<320x80xi32, #tpu.memory_space<hbm>>
      tpu.wait_dma2 semaphore(%run_scoped3A : memref<!tpu.dma_semaphore, #tpu.memory_space<semaphore_mem>>) src(%dma_wait3A_226 : memref<320x80xi32, #tpu.memory_space<hbm>>) dst(%arg5 : memref<320x80xi32, #tpu.memory_space<vmem>>)
      tpu.yield
    }) : () -> ()
    %dma_start3A = arith.constant 0 : i32
    %dma_start3A_7 = arith.constant 0 : i32
    %dma_start3A_8 = tpu.memref_slice %arg5[%dma_start3A, %dma_start3A_7] : memref<320x80xi32, #tpu.memory_space<vmem>> -> memref<1x80xi32, #tpu.memory_space<vmem>>
    %dma_start3A_9 = tpu.memref_squeeze %dma_start3A_8 : memref<1x80xi32, #tpu.memory_space<vmem>> -> memref<80xi32, #tpu.memory_space<vmem>>
    %dma_start3A_10 = arith.constant 0 : i32
    %dma_start3A_11 = arith.constant 0 : i32
    %dma_start3A_12 = tpu.memref_slice %arg14[%dma_start3A_10, %dma_start3A_11] : memref<194x128xf32, #tpu.memory_space<vmem_shared>> -> memref<194x128xf32, #tpu.memory_space<vmem_shared>>
    tpu.enqueue_indirect_dma source(%dma_start3A_12 : memref<194x128xf32, #tpu.memory_space<vmem_shared>>) target(%arg6 : memref<80x128xf32, #tpu.memory_space<vmem>>) offsets(%dma_start3A_9 : memref<80xi32, #tpu.memory_space<vmem>>) semaphore(%arg15 : memref<!tpu.dma_semaphore, #tpu.memory_space<semaphore_mem>>)
    %dma_start3A_13 = arith.constant 1 : i32
    %dma_start3A_14 = arith.constant 0 : i32
    %dma_start3A_15 = tpu.memref_slice %arg5[%dma_start3A_13, %dma_start3A_14] : memref<320x80xi32, #tpu.memory_space<vmem>> -> memref<1x80xi32, #tpu.memory_space<vmem>>
    %dma_start3A_16 = tpu.memref_squeeze %dma_start3A_15 : memref<1x80xi32, #tpu.memory_space<vmem>> -> memref<80xi32, #tpu.memory_space<vmem>>
    %dma_start3A_17 = arith.constant 0 : i32
    %dma_start3A_18 = arith.constant 0 : i32
    %dma_start3A_19 = tpu.memref_slice %arg14[%dma_start3A_17, %dma_start3A_18] : memref<194x128xf32, #tpu.memory_space<vmem_shared>> -> memref<194x128xf32, #tpu.memory_space<vmem_shared>>
    tpu.enqueue_indirect_dma source(%dma_start3A_19 : memref<194x128xf32, #tpu.memory_space<vmem_shared>>) target(%arg7 : memref<80x128xf32, #tpu.memory_space<vmem>>) offsets(%dma_start3A_16 : memref<80xi32, #tpu.memory_space<vmem>>) semaphore(%arg16 : memref<!tpu.dma_semaphore, #tpu.memory_space<semaphore_mem>>)
    %dma_start3A_20 = arith.constant 2 : i32
    %dma_start3A_21 = arith.constant 0 : i32
    %dma_start3A_22 = tpu.memref_slice %arg5[%dma_start3A_20, %dma_start3A_21] : memref<320x80xi32, #tpu.memory_space<vmem>> -> memref<1x80xi32, #tpu.memory_space<vmem>>
    %dma_start3A_23 = tpu.memref_squeeze %dma_start3A_22 : memref<1x80xi32, #tpu.memory_space<vmem>> -> memref<80xi32, #tpu.memory_space<vmem>>
    %dma_start3A_24 = arith.constant 0 : i32
    %dma_start3A_25 = arith.constant 0 : i32
    %dma_start3A_26 = tpu.memref_slice %arg14[%dma_start3A_24, %dma_start3A_25] : memref<194x128xf32, #tpu.memory_space<vmem_shared>> -> memref<194x128xf32, #tpu.memory_space<vmem_shared>>
    tpu.enqueue_indirect_dma source(%dma_start3A_26 : memref<194x128xf32, #tpu.memory_space<vmem_shared>>) target(%arg8 : memref<80x128xf32, #tpu.memory_space<vmem>>) offsets(%dma_start3A_23 : memref<80xi32, #tpu.memory_space<vmem>>) semaphore(%arg17 : memref<!tpu.dma_semaphore, #tpu.memory_space<semaphore_mem>>)
    %dma_wait3A = arith.constant 0 : i32
    %dma_wait3A_27 = arith.constant 0 : i32
    %dma_wait3A_28 = tpu.memref_slice %arg5[%dma_wait3A, %dma_wait3A_27] : memref<320x80xi32, #tpu.memory_space<vmem>> -> memref<1x80xi32, #tpu.memory_space<vmem>>
    %dma_wait3A_29 = tpu.memref_squeeze %dma_wait3A_28 : memref<1x80xi32, #tpu.memory_space<vmem>> -> memref<80xi32, #tpu.memory_space<vmem>>
    %dma_wait3A_30 = arith.constant 0 : i32
    %dma_wait3A_31 = arith.constant 0 : i32
    %dma_wait3A_32 = tpu.memref_slice %arg14[%dma_wait3A_30, %dma_wait3A_31] : memref<194x128xf32, #tpu.memory_space<vmem_shared>> -> memref<194x128xf32, #tpu.memory_space<vmem_shared>>
    tpu.wait_indirect_dma semaphore(%arg15 : memref<!tpu.dma_semaphore, #tpu.memory_space<semaphore_mem>>) src(%dma_wait3A_32 : memref<194x128xf32, #tpu.memory_space<vmem_shared>>) dst(%arg6 : memref<80x128xf32, #tpu.memory_space<vmem>>)
    %add3A_33 = arith.constant 0 : i32
    %add3A_34 = arith.addi %mul3A_2, %add3A_33 : i32
    %dma_start3A_35 = arith.constant 0 : i32
    %dma_start3A_36 = tpu.memref_slice %arg4[%add3A_34, %dma_start3A_35] : memref<819200x128xf32, #tpu.memory_space<hbm>> -> memref<80x128xf32, #tpu.memory_space<hbm>>
    %dma_start3A_37 = arith.constant 0 : i32
    %dma_start3A_38 = tpu.memref_slice %arg4[%add3A_34, %dma_start3A_37] : memref<819200x128xf32, #tpu.memory_space<hbm>> -> memref<80x128xf32, #tpu.memory_space<hbm>>
    tpu.enqueue_dma source(%arg6 : memref<80x128xf32, #tpu.memory_space<vmem>>) target(%dma_start3A_38 : memref<80x128xf32, #tpu.memory_space<hbm>>) target_semaphore(%arg23 : memref<!tpu.dma_semaphore, #tpu.memory_space<semaphore_mem>>)
    %dma_start3A_39 = arith.constant 3 : i32
    %dma_start3A_40 = arith.constant 0 : i32
    %dma_start3A_41 = tpu.memref_slice %arg5[%dma_start3A_39, %dma_start3A_40] : memref<320x80xi32, #tpu.memory_space<vmem>> -> memref<1x80xi32, #tpu.memory_space<vmem>>
    %dma_start3A_42 = tpu.memref_squeeze %dma_start3A_41 : memref<1x80xi32, #tpu.memory_space<vmem>> -> memref<80xi32, #tpu.memory_space<vmem>>
    %dma_start3A_43 = arith.constant 0 : i32
    %dma_start3A_44 = arith.constant 0 : i32
    %dma_start3A_45 = tpu.memref_slice %arg14[%dma_start3A_43, %dma_start3A_44] : memref<194x128xf32, #tpu.memory_space<vmem_shared>> -> memref<194x128xf32, #tpu.memory_space<vmem_shared>>
    tpu.enqueue_indirect_dma source(%dma_start3A_45 : memref<194x128xf32, #tpu.memory_space<vmem_shared>>) target(%arg9 : memref<80x128xf32, #tpu.memory_space<vmem>>) offsets(%dma_start3A_42 : memref<80xi32, #tpu.memory_space<vmem>>) semaphore(%arg18 : memref<!tpu.dma_semaphore, #tpu.memory_space<semaphore_mem>>)
    %dma_wait3A_46 = arith.constant 1 : i32
    %dma_wait3A_47 = arith.constant 0 : i32
    %dma_wait3A_48 = tpu.memref_slice %arg5[%dma_wait3A_46, %dma_wait3A_47] : memref<320x80xi32, #tpu.memory_space<vmem>> -> memref<1x80xi32, #tpu.memory_space<vmem>>
    %dma_wait3A_49 = tpu.memref_squeeze %dma_wait3A_48 : memref<1x80xi32, #tpu.memory_space<vmem>> -> memref<80xi32, #tpu.memory_space<vmem>>
    %dma_wait3A_50 = arith.constant 0 : i32
    %dma_wait3A_51 = arith.constant 0 : i32
    %dma_wait3A_52 = tpu.memref_slice %arg14[%dma_wait3A_50, %dma_wait3A_51] : memref<194x128xf32, #tpu.memory_space<vmem_shared>> -> memref<194x128xf32, #tpu.memory_space<vmem_shared>>
    tpu.wait_indirect_dma semaphore(%arg16 : memref<!tpu.dma_semaphore, #tpu.memory_space<semaphore_mem>>) src(%dma_wait3A_52 : memref<194x128xf32, #tpu.memory_space<vmem_shared>>) dst(%arg7 : memref<80x128xf32, #tpu.memory_space<vmem>>)
    %add3A_53 = arith.constant 80 : i32
    %add3A_54 = arith.addi %mul3A_2, %add3A_53 : i32
    %dma_start3A_55 = arith.constant 0 : i32
    %dma_start3A_56 = tpu.memref_slice %arg4[%add3A_54, %dma_start3A_55] : memref<819200x128xf32, #tpu.memory_space<hbm>> -> memref<80x128xf32, #tpu.memory_space<hbm>>
    %dma_start3A_57 = arith.constant 0 : i32
    %dma_start3A_58 = tpu.memref_slice %arg4[%add3A_54, %dma_start3A_57] : memref<819200x128xf32, #tpu.memory_space<hbm>> -> memref<80x128xf32, #tpu.memory_space<hbm>>
    tpu.enqueue_dma source(%arg7 : memref<80x128xf32, #tpu.memory_space<vmem>>) target(%dma_start3A_58 : memref<80x128xf32, #tpu.memory_space<hbm>>) target_semaphore(%arg24 : memref<!tpu.dma_semaphore, #tpu.memory_space<semaphore_mem>>)
    %dma_start3A_59 = arith.constant 4 : i32
    %dma_start3A_60 = arith.constant 0 : i32
    %dma_start3A_61 = tpu.memref_slice %arg5[%dma_start3A_59, %dma_start3A_60] : memref<320x80xi32, #tpu.memory_space<vmem>> -> memref<1x80xi32, #tpu.memory_space<vmem>>
    %dma_start3A_62 = tpu.memref_squeeze %dma_start3A_61 : memref<1x80xi32, #tpu.memory_space<vmem>> -> memref<80xi32, #tpu.memory_space<vmem>>
    %dma_start3A_63 = arith.constant 0 : i32
    %dma_start3A_64 = arith.constant 0 : i32
    %dma_start3A_65 = tpu.memref_slice %arg14[%dma_start3A_63, %dma_start3A_64] : memref<194x128xf32, #tpu.memory_space<vmem_shared>> -> memref<194x128xf32, #tpu.memory_space<vmem_shared>>
    tpu.enqueue_indirect_dma source(%dma_start3A_65 : memref<194x128xf32, #tpu.memory_space<vmem_shared>>) target(%arg10 : memref<80x128xf32, #tpu.memory_space<vmem>>) offsets(%dma_start3A_62 : memref<80xi32, #tpu.memory_space<vmem>>) semaphore(%arg19 : memref<!tpu.dma_semaphore, #tpu.memory_space<semaphore_mem>>)
    %dma_wait3A_66 = arith.constant 2 : i32
    %dma_wait3A_67 = arith.constant 0 : i32
    %dma_wait3A_68 = tpu.memref_slice %arg5[%dma_wait3A_66, %dma_wait3A_67] : memref<320x80xi32, #tpu.memory_space<vmem>> -> memref<1x80xi32, #tpu.memory_space<vmem>>
    %dma_wait3A_69 = tpu.memref_squeeze %dma_wait3A_68 : memref<1x80xi32, #tpu.memory_space<vmem>> -> memref<80xi32, #tpu.memory_space<vmem>>
    %dma_wait3A_70 = arith.constant 0 : i32
    %dma_wait3A_71 = arith.constant 0 : i32
    %dma_wait3A_72 = tpu.memref_slice %arg14[%dma_wait3A_70, %dma_wait3A_71] : memref<194x128xf32, #tpu.memory_space<vmem_shared>> -> memref<194x128xf32, #tpu.memory_space<vmem_shared>>
    tpu.wait_indirect_dma semaphore(%arg17 : memref<!tpu.dma_semaphore, #tpu.memory_space<semaphore_mem>>) src(%dma_wait3A_72 : memref<194x128xf32, #tpu.memory_space<vmem_shared>>) dst(%arg8 : memref<80x128xf32, #tpu.memory_space<vmem>>)
    %add3A_73 = arith.constant 160 : i32
    %add3A_74 = arith.addi %mul3A_2, %add3A_73 : i32
    %dma_start3A_75 = arith.constant 0 : i32
    %dma_start3A_76 = tpu.memref_slice %arg4[%add3A_74, %dma_start3A_75] : memref<819200x128xf32, #tpu.memory_space<hbm>> -> memref<80x128xf32, #tpu.memory_space<hbm>>
    %dma_start3A_77 = arith.constant 0 : i32
    %dma_start3A_78 = tpu.memref_slice %arg4[%add3A_74, %dma_start3A_77] : memref<819200x128xf32, #tpu.memory_space<hbm>> -> memref<80x128xf32, #tpu.memory_space<hbm>>
    tpu.enqueue_dma source(%arg8 : memref<80x128xf32, #tpu.memory_space<vmem>>) target(%dma_start3A_78 : memref<80x128xf32, #tpu.memory_space<hbm>>) target_semaphore(%arg25 : memref<!tpu.dma_semaphore, #tpu.memory_space<semaphore_mem>>)
    %dma_start3A_79 = arith.constant 5 : i32
    %dma_start3A_80 = arith.constant 0 : i32
    %dma_start3A_81 = tpu.memref_slice %arg5[%dma_start3A_79, %dma_start3A_80] : memref<320x80xi32, #tpu.memory_space<vmem>> -> memref<1x80xi32, #tpu.memory_space<vmem>>
    %dma_start3A_82 = tpu.memref_squeeze %dma_start3A_81 : memref<1x80xi32, #tpu.memory_space<vmem>> -> memref<80xi32, #tpu.memory_space<vmem>>
    %dma_start3A_83 = arith.constant 0 : i32
    %dma_start3A_84 = arith.constant 0 : i32
    %dma_start3A_85 = tpu.memref_slice %arg14[%dma_start3A_83, %dma_start3A_84] : memref<194x128xf32, #tpu.memory_space<vmem_shared>> -> memref<194x128xf32, #tpu.memory_space<vmem_shared>>
    tpu.enqueue_indirect_dma source(%dma_start3A_85 : memref<194x128xf32, #tpu.memory_space<vmem_shared>>) target(%arg11 : memref<80x128xf32, #tpu.memory_space<vmem>>) offsets(%dma_start3A_82 : memref<80xi32, #tpu.memory_space<vmem>>) semaphore(%arg20 : memref<!tpu.dma_semaphore, #tpu.memory_space<semaphore_mem>>)
    %dma_wait3A_86 = arith.constant 3 : i32
    %dma_wait3A_87 = arith.constant 0 : i32
    %dma_wait3A_88 = tpu.memref_slice %arg5[%dma_wait3A_86, %dma_wait3A_87] : memref<320x80xi32, #tpu.memory_space<vmem>> -> memref<1x80xi32, #tpu.memory_space<vmem>>
    %dma_wait3A_89 = tpu.memref_squeeze %dma_wait3A_88 : memref<1x80xi32, #tpu.memory_space<vmem>> -> memref<80xi32, #tpu.memory_space<vmem>>
    %dma_wait3A_90 = arith.constant 0 : i32
    %dma_wait3A_91 = arith.constant 0 : i32
    %dma_wait3A_92 = tpu.memref_slice %arg14[%dma_wait3A_90, %dma_wait3A_91] : memref<194x128xf32, #tpu.memory_space<vmem_shared>> -> memref<194x128xf32, #tpu.memory_space<vmem_shared>>
    tpu.wait_indirect_dma semaphore(%arg18 : memref<!tpu.dma_semaphore, #tpu.memory_space<semaphore_mem>>) src(%dma_wait3A_92 : memref<194x128xf32, #tpu.memory_space<vmem_shared>>) dst(%arg9 : memref<80x128xf32, #tpu.memory_space<vmem>>)
    %add3A_93 = arith.constant 240 : i32
    %add3A_94 = arith.addi %mul3A_2, %add3A_93 : i32
    %dma_start3A_95 = arith.constant 0 : i32
    %dma_start3A_96 = tpu.memref_slice %arg4[%add3A_94, %dma_start3A_95] : memref<819200x128xf32, #tpu.memory_space<hbm>> -> memref<80x128xf32, #tpu.memory_space<hbm>>
    %dma_start3A_97 = arith.constant 0 : i32
    %dma_start3A_98 = tpu.memref_slice %arg4[%add3A_94, %dma_start3A_97] : memref<819200x128xf32, #tpu.memory_space<hbm>> -> memref<80x128xf32, #tpu.memory_space<hbm>>
    tpu.enqueue_dma source(%arg9 : memref<80x128xf32, #tpu.memory_space<vmem>>) target(%dma_start3A_98 : memref<80x128xf32, #tpu.memory_space<hbm>>) target_semaphore(%arg26 : memref<!tpu.dma_semaphore, #tpu.memory_space<semaphore_mem>>)
    %dma_start3A_99 = arith.constant 6 : i32
    %dma_start3A_100 = arith.constant 0 : i32
    %dma_start3A_101 = tpu.memref_slice %arg5[%dma_start3A_99, %dma_start3A_100] : memref<320x80xi32, #tpu.memory_space<vmem>> -> memref<1x80xi32, #tpu.memory_space<vmem>>
    %dma_start3A_102 = tpu.memref_squeeze %dma_start3A_101 : memref<1x80xi32, #tpu.memory_space<vmem>> -> memref<80xi32, #tpu.memory_space<vmem>>
    %dma_start3A_103 = arith.constant 0 : i32
    %dma_start3A_104 = arith.constant 0 : i32
    %dma_start3A_105 = tpu.memref_slice %arg14[%dma_start3A_103, %dma_start3A_104] : memref<194x128xf32, #tpu.memory_space<vmem_shared>> -> memref<194x128xf32, #tpu.memory_space<vmem_shared>>
    tpu.enqueue_indirect_dma source(%dma_start3A_105 : memref<194x128xf32, #tpu.memory_space<vmem_shared>>) target(%arg12 : memref<80x128xf32, #tpu.memory_space<vmem>>) offsets(%dma_start3A_102 : memref<80xi32, #tpu.memory_space<vmem>>) semaphore(%arg21 : memref<!tpu.dma_semaphore, #tpu.memory_space<semaphore_mem>>)
    %dma_wait3A_106 = arith.constant 4 : i32
    %dma_wait3A_107 = arith.constant 0 : i32
    %dma_wait3A_108 = tpu.memref_slice %arg5[%dma_wait3A_106, %dma_wait3A_107] : memref<320x80xi32, #tpu.memory_space<vmem>> -> memref<1x80xi32, #tpu.memory_space<vmem>>
    %dma_wait3A_109 = tpu.memref_squeeze %dma_wait3A_108 : memref<1x80xi32, #tpu.memory_space<vmem>> -> memref<80xi32, #tpu.memory_space<vmem>>
    %dma_wait3A_110 = arith.constant 0 : i32
    %dma_wait3A_111 = arith.constant 0 : i32
    %dma_wait3A_112 = tpu.memref_slice %arg14[%dma_wait3A_110, %dma_wait3A_111] : memref<194x128xf32, #tpu.memory_space<vmem_shared>> -> memref<194x128xf32, #tpu.memory_space<vmem_shared>>
    tpu.wait_indirect_dma semaphore(%arg19 : memref<!tpu.dma_semaphore, #tpu.memory_space<semaphore_mem>>) src(%dma_wait3A_112 : memref<194x128xf32, #tpu.memory_space<vmem_shared>>) dst(%arg10 : memref<80x128xf32, #tpu.memory_space<vmem>>)
    %add3A_113 = arith.constant 320 : i32
    %add3A_114 = arith.addi %mul3A_2, %add3A_113 : i32
    %dma_start3A_115 = arith.constant 0 : i32
    %dma_start3A_116 = tpu.memref_slice %arg4[%add3A_114, %dma_start3A_115] : memref<819200x128xf32, #tpu.memory_space<hbm>> -> memref<80x128xf32, #tpu.memory_space<hbm>>
    %dma_start3A_117 = arith.constant 0 : i32
    %dma_start3A_118 = tpu.memref_slice %arg4[%add3A_114, %dma_start3A_117] : memref<819200x128xf32, #tpu.memory_space<hbm>> -> memref<80x128xf32, #tpu.memory_space<hbm>>
    tpu.enqueue_dma source(%arg10 : memref<80x128xf32, #tpu.memory_space<vmem>>) target(%dma_start3A_118 : memref<80x128xf32, #tpu.memory_space<hbm>>) target_semaphore(%arg27 : memref<!tpu.dma_semaphore, #tpu.memory_space<semaphore_mem>>)
    %dma_start3A_119 = arith.constant 7 : i32
    %dma_start3A_120 = arith.constant 0 : i32
    %dma_start3A_121 = tpu.memref_slice %arg5[%dma_start3A_119, %dma_start3A_120] : memref<320x80xi32, #tpu.memory_space<vmem>> -> memref<1x80xi32, #tpu.memory_space<vmem>>
    %dma_start3A_122 = tpu.memref_squeeze %dma_start3A_121 : memref<1x80xi32, #tpu.memory_space<vmem>> -> memref<80xi32, #tpu.memory_space<vmem>>
    %dma_start3A_123 = arith.constant 0 : i32
    %dma_start3A_124 = arith.constant 0 : i32
    %dma_start3A_125 = tpu.memref_slice %arg14[%dma_start3A_123, %dma_start3A_124] : memref<194x128xf32, #tpu.memory_space<vmem_shared>> -> memref<194x128xf32, #tpu.memory_space<vmem_shared>>
    tpu.enqueue_indirect_dma source(%dma_start3A_125 : memref<194x128xf32, #tpu.memory_space<vmem_shared>>) target(%arg13 : memref<80x128xf32, #tpu.memory_space<vmem>>) offsets(%dma_start3A_122 : memref<80xi32, #tpu.memory_space<vmem>>) semaphore(%arg22 : memref<!tpu.dma_semaphore, #tpu.memory_space<semaphore_mem>>)
    %scan3A = arith.constant 0 : i32
    %scan3A_126 = arith.constant 0 : i32
    %scan3A_127 = arith.constant 39 : i32
    %scan3A_128 = arith.addi %scan3A_126, %scan3A_127 : i32
    %scan3A_129 = arith.constant 1 : i32
    %scan3A_130 = scf.for %scan3A_219 = %scan3A_126 to %scan3A_128 step %scan3A_129 iter_args(%scan3A_220 = %scan3A) -> (i32)  : i32 {
      %mul3A_221 = arith.constant 8 : i32
      %mul3A_222 = arith.muli %scan3A_219, %mul3A_221 : i32
      %add3A_223 = arith.constant 5 : i32
      %add3A_224 = arith.addi %add3A_223, %mul3A_222 : i32
      %add3A_225 = arith.constant 0 : i32
      %add3A_226 = arith.addi %add3A_224, %add3A_225 : i32
      %sub3A = arith.constant 3 : i32
      %sub3A_227 = arith.subi %add3A_226, %sub3A : i32
      %mul3A_228 = arith.constant 80 : i32
      %mul3A_229 = arith.muli %sub3A_227, %mul3A_228 : i32
      %add3A_230 = arith.addi %mul3A_2, %mul3A_229 : i32
      %dma_wait3A_231 = arith.constant 0 : i32
      %dma_wait3A_232 = tpu.memref_slice %arg4[%add3A_230, %dma_wait3A_231] : memref<819200x128xf32, #tpu.memory_space<hbm>> -> memref<80x128xf32, #tpu.memory_space<hbm>>
      %dma_wait3A_233 = arith.constant 0 : i32
      %dma_wait3A_234 = tpu.memref_slice %arg4[%add3A_230, %dma_wait3A_233] : memref<819200x128xf32, #tpu.memory_space<hbm>> -> memref<80x128xf32, #tpu.memory_space<hbm>>
      tpu.wait_dma2 semaphore(%arg23 : memref<!tpu.dma_semaphore, #tpu.memory_space<semaphore_mem>>) src(%arg6 : memref<80x128xf32, #tpu.memory_space<vmem>>) dst(%dma_wait3A_234 : memref<80x128xf32, #tpu.memory_space<hbm>>)
      %add3A_235 = arith.constant 3 : i32
      %add3A_236 = arith.addi %add3A_226, %add3A_235 : i32
      %dma_start3A_237 = arith.constant 0 : i32
      %dma_start3A_238 = tpu.memref_slice %arg5[%add3A_236, %dma_start3A_237] : memref<320x80xi32, #tpu.memory_space<vmem>> -> memref<1x80xi32, #tpu.memory_space<vmem>>
      %dma_start3A_239 = tpu.memref_squeeze %dma_start3A_238 : memref<1x80xi32, #tpu.memory_space<vmem>> -> memref<80xi32, #tpu.memory_space<vmem>>
      %dma_start3A_240 = arith.constant 0 : i32
      %dma_start3A_241 = arith.constant 0 : i32
      %dma_start3A_242 = tpu.memref_slice %arg14[%dma_start3A_240, %dma_start3A_241] : memref<194x128xf32, #tpu.memory_space<vmem_shared>> -> memref<194x128xf32, #tpu.memory_space<vmem_shared>>
      tpu.enqueue_indirect_dma source(%dma_start3A_242 : memref<194x128xf32, #tpu.memory_space<vmem_shared>>) target(%arg6 : memref<80x128xf32, #tpu.memory_space<vmem>>) offsets(%dma_start3A_239 : memref<80xi32, #tpu.memory_space<vmem>>) semaphore(%arg15 : memref<!tpu.dma_semaphore, #tpu.memory_space<semaphore_mem>>)
      %dma_wait3A_243 = arith.constant 0 : i32
      %dma_wait3A_244 = tpu.memref_slice %arg5[%add3A_226, %dma_wait3A_243] : memref<320x80xi32, #tpu.memory_space<vmem>> -> memref<1x80xi32, #tpu.memory_space<vmem>>
      %dma_wait3A_245 = tpu.memref_squeeze %dma_wait3A_244 : memref<1x80xi32, #tpu.memory_space<vmem>> -> memref<80xi32, #tpu.memory_space<vmem>>
      %dma_wait3A_246 = arith.constant 0 : i32
      %dma_wait3A_247 = arith.constant 0 : i32
      %dma_wait3A_248 = tpu.memref_slice %arg14[%dma_wait3A_246, %dma_wait3A_247] : memref<194x128xf32, #tpu.memory_space<vmem_shared>> -> memref<194x128xf32, #tpu.memory_space<vmem_shared>>
      tpu.wait_indirect_dma semaphore(%arg20 : memref<!tpu.dma_semaphore, #tpu.memory_space<semaphore_mem>>) src(%dma_wait3A_248 : memref<194x128xf32, #tpu.memory_space<vmem_shared>>) dst(%arg11 : memref<80x128xf32, #tpu.memory_space<vmem>>)
      %mul3A_249 = arith.constant 80 : i32
      %mul3A_250 = arith.muli %add3A_226, %mul3A_249 : i32
      %add3A_251 = arith.addi %mul3A_2, %mul3A_250 : i32
      %dma_start3A_252 = arith.constant 0 : i32
      %dma_start3A_253 = tpu.memref_slice %arg4[%add3A_251, %dma_start3A_252] : memref<819200x128xf32, #tpu.memory_space<hbm>> -> memref<80x128xf32, #tpu.memory_space<hbm>>
      %dma_start3A_254 = arith.constant 0 : i32
      %dma_start3A_255 = tpu.memref_slice %arg4[%add3A_251, %dma_start3A_254] : memref<819200x128xf32, #tpu.memory_space<hbm>> -> memref<80x128xf32, #tpu.memory_space<hbm>>
      tpu.enqueue_dma source(%arg11 : memref<80x128xf32, #tpu.memory_space<vmem>>) target(%dma_start3A_255 : memref<80x128xf32, #tpu.memory_space<hbm>>) target_semaphore(%arg28 : memref<!tpu.dma_semaphore, #tpu.memory_space<semaphore_mem>>)
      %add3A_256 = arith.constant 1 : i32
      %add3A_257 = arith.addi %add3A_224, %add3A_256 : i32
      %sub3A_258 = arith.constant 3 : i32
      %sub3A_259 = arith.subi %add3A_257, %sub3A_258 : i32
      %mul3A_260 = arith.constant 80 : i32
      %mul3A_261 = arith.muli %sub3A_259, %mul3A_260 : i32
      %add3A_262 = arith.addi %mul3A_2, %mul3A_261 : i32
      %dma_wait3A_263 = arith.constant 0 : i32
      %dma_wait3A_264 = tpu.memref_slice %arg4[%add3A_262, %dma_wait3A_263] : memref<819200x128xf32, #tpu.memory_space<hbm>> -> memref<80x128xf32, #tpu.memory_space<hbm>>
      %dma_wait3A_265 = arith.constant 0 : i32
      %dma_wait3A_266 = tpu.memref_slice %arg4[%add3A_262, %dma_wait3A_265] : memref<819200x128xf32, #tpu.memory_space<hbm>> -> memref<80x128xf32, #tpu.memory_space<hbm>>
      tpu.wait_dma2 semaphore(%arg24 : memref<!tpu.dma_semaphore, #tpu.memory_space<semaphore_mem>>) src(%arg7 : memref<80x128xf32, #tpu.memory_space<vmem>>) dst(%dma_wait3A_266 : memref<80x128xf32, #tpu.memory_space<hbm>>)
      %add3A_267 = arith.constant 3 : i32
      %add3A_268 = arith.addi %add3A_257, %add3A_267 : i32
      %dma_start3A_269 = arith.constant 0 : i32
      %dma_start3A_270 = tpu.memref_slice %arg5[%add3A_268, %dma_start3A_269] : memref<320x80xi32, #tpu.memory_space<vmem>> -> memref<1x80xi32, #tpu.memory_space<vmem>>
      %dma_start3A_271 = tpu.memref_squeeze %dma_start3A_270 : memref<1x80xi32, #tpu.memory_space<vmem>> -> memref<80xi32, #tpu.memory_space<vmem>>
      %dma_start3A_272 = arith.constant 0 : i32
      %dma_start3A_273 = arith.constant 0 : i32
      %dma_start3A_274 = tpu.memref_slice %arg14[%dma_start3A_272, %dma_start3A_273] : memref<194x128xf32, #tpu.memory_space<vmem_shared>> -> memref<194x128xf32, #tpu.memory_space<vmem_shared>>
      tpu.enqueue_indirect_dma source(%dma_start3A_274 : memref<194x128xf32, #tpu.memory_space<vmem_shared>>) target(%arg7 : memref<80x128xf32, #tpu.memory_space<vmem>>) offsets(%dma_start3A_271 : memref<80xi32, #tpu.memory_space<vmem>>) semaphore(%arg16 : memref<!tpu.dma_semaphore, #tpu.memory_space<semaphore_mem>>)
      %dma_wait3A_275 = arith.constant 0 : i32
      %dma_wait3A_276 = tpu.memref_slice %arg5[%add3A_257, %dma_wait3A_275] : memref<320x80xi32, #tpu.memory_space<vmem>> -> memref<1x80xi32, #tpu.memory_space<vmem>>
      %dma_wait3A_277 = tpu.memref_squeeze %dma_wait3A_276 : memref<1x80xi32, #tpu.memory_space<vmem>> -> memref<80xi32, #tpu.memory_space<vmem>>
      %dma_wait3A_278 = arith.constant 0 : i32
      %dma_wait3A_279 = arith.constant 0 : i32
      %dma_wait3A_280 = tpu.memref_slice %arg14[%dma_wait3A_278, %dma_wait3A_279] : memref<194x128xf32, #tpu.memory_space<vmem_shared>> -> memref<194x128xf32, #tpu.memory_space<vmem_shared>>
      tpu.wait_indirect_dma semaphore(%arg21 : memref<!tpu.dma_semaphore, #tpu.memory_space<semaphore_mem>>) src(%dma_wait3A_280 : memref<194x128xf32, #tpu.memory_space<vmem_shared>>) dst(%arg12 : memref<80x128xf32, #tpu.memory_space<vmem>>)
      %mul3A_281 = arith.constant 80 : i32
      %mul3A_282 = arith.muli %add3A_257, %mul3A_281 : i32
      %add3A_283 = arith.addi %mul3A_2, %mul3A_282 : i32
      %dma_start3A_284 = arith.constant 0 : i32
      %dma_start3A_285 = tpu.memref_slice %arg4[%add3A_283, %dma_start3A_284] : memref<819200x128xf32, #tpu.memory_space<hbm>> -> memref<80x128xf32, #tpu.memory_space<hbm>>
      %dma_start3A_286 = arith.constant 0 : i32
      %dma_start3A_287 = tpu.memref_slice %arg4[%add3A_283, %dma_start3A_286] : memref<819200x128xf32, #tpu.memory_space<hbm>> -> memref<80x128xf32, #tpu.memory_space<hbm>>
      tpu.enqueue_dma source(%arg12 : memref<80x128xf32, #tpu.memory_space<vmem>>) target(%dma_start3A_287 : memref<80x128xf32, #tpu.memory_space<hbm>>) target_semaphore(%arg29 : memref<!tpu.dma_semaphore, #tpu.memory_space<semaphore_mem>>)
      %add3A_288 = arith.constant 2 : i32
      %add3A_289 = arith.addi %add3A_224, %add3A_288 : i32
      %sub3A_290 = arith.constant 3 : i32
      %sub3A_291 = arith.subi %add3A_289, %sub3A_290 : i32
      %mul3A_292 = arith.constant 80 : i32
      %mul3A_293 = arith.muli %sub3A_291, %mul3A_292 : i32
      %add3A_294 = arith.addi %mul3A_2, %mul3A_293 : i32
      %dma_wait3A_295 = arith.constant 0 : i32
      %dma_wait3A_296 = tpu.memref_slice %arg4[%add3A_294, %dma_wait3A_295] : memref<819200x128xf32, #tpu.memory_space<hbm>> -> memref<80x128xf32, #tpu.memory_space<hbm>>
      %dma_wait3A_297 = arith.constant 0 : i32
      %dma_wait3A_298 = tpu.memref_slice %arg4[%add3A_294, %dma_wait3A_297] : memref<819200x128xf32, #tpu.memory_space<hbm>> -> memref<80x128xf32, #tpu.memory_space<hbm>>
      tpu.wait_dma2 semaphore(%arg25 : memref<!tpu.dma_semaphore, #tpu.memory_space<semaphore_mem>>) src(%arg8 : memref<80x128xf32, #tpu.memory_space<vmem>>) dst(%dma_wait3A_298 : memref<80x128xf32, #tpu.memory_space<hbm>>)
      %add3A_299 = arith.constant 3 : i32
      %add3A_300 = arith.addi %add3A_289, %add3A_299 : i32
      %dma_start3A_301 = arith.constant 0 : i32
      %dma_start3A_302 = tpu.memref_slice %arg5[%add3A_300, %dma_start3A_301] : memref<320x80xi32, #tpu.memory_space<vmem>> -> memref<1x80xi32, #tpu.memory_space<vmem>>
      %dma_start3A_303 = tpu.memref_squeeze %dma_start3A_302 : memref<1x80xi32, #tpu.memory_space<vmem>> -> memref<80xi32, #tpu.memory_space<vmem>>
      %dma_start3A_304 = arith.constant 0 : i32
      %dma_start3A_305 = arith.constant 0 : i32
      %dma_start3A_306 = tpu.memref_slice %arg14[%dma_start3A_304, %dma_start3A_305] : memref<194x128xf32, #tpu.memory_space<vmem_shared>> -> memref<194x128xf32, #tpu.memory_space<vmem_shared>>
      tpu.enqueue_indirect_dma source(%dma_start3A_306 : memref<194x128xf32, #tpu.memory_space<vmem_shared>>) target(%arg8 : memref<80x128xf32, #tpu.memory_space<vmem>>) offsets(%dma_start3A_303 : memref<80xi32, #tpu.memory_space<vmem>>) semaphore(%arg17 : memref<!tpu.dma_semaphore, #tpu.memory_space<semaphore_mem>>)
      %dma_wait3A_307 = arith.constant 0 : i32
      %dma_wait3A_308 = tpu.memref_slice %arg5[%add3A_289, %dma_wait3A_307] : memref<320x80xi32, #tpu.memory_space<vmem>> -> memref<1x80xi32, #tpu.memory_space<vmem>>
      %dma_wait3A_309 = tpu.memref_squeeze %dma_wait3A_308 : memref<1x80xi32, #tpu.memory_space<vmem>> -> memref<80xi32, #tpu.memory_space<vmem>>
      %dma_wait3A_310 = arith.constant 0 : i32
      %dma_wait3A_311 = arith.constant 0 : i32
      %dma_wait3A_312 = tpu.memref_slice %arg14[%dma_wait3A_310, %dma_wait3A_311] : memref<194x128xf32, #tpu.memory_space<vmem_shared>> -> memref<194x128xf32, #tpu.memory_space<vmem_shared>>
      tpu.wait_indirect_dma semaphore(%arg22 : memref<!tpu.dma_semaphore, #tpu.memory_space<semaphore_mem>>) src(%dma_wait3A_312 : memref<194x128xf32, #tpu.memory_space<vmem_shared>>) dst(%arg13 : memref<80x128xf32, #tpu.memory_space<vmem>>)
      %mul3A_313 = arith.constant 80 : i32
      %mul3A_314 = arith.muli %add3A_289, %mul3A_313 : i32
      %add3A_315 = arith.addi %mul3A_2, %mul3A_314 : i32
      %dma_start3A_316 = arith.constant 0 : i32
      %dma_start3A_317 = tpu.memref_slice %arg4[%add3A_315, %dma_start3A_316] : memref<819200x128xf32, #tpu.memory_space<hbm>> -> memref<80x128xf32, #tpu.memory_space<hbm>>
      %dma_start3A_318 = arith.constant 0 : i32
      %dma_start3A_319 = tpu.memref_slice %arg4[%add3A_315, %dma_start3A_318] : memref<819200x128xf32, #tpu.memory_space<hbm>> -> memref<80x128xf32, #tpu.memory_space<hbm>>
      tpu.enqueue_dma source(%arg13 : memref<80x128xf32, #tpu.memory_space<vmem>>) target(%dma_start3A_319 : memref<80x128xf32, #tpu.memory_space<hbm>>) target_semaphore(%arg30 : memref<!tpu.dma_semaphore, #tpu.memory_space<semaphore_mem>>)
      %add3A_320 = arith.constant 3 : i32
      %add3A_321 = arith.addi %add3A_224, %add3A_320 : i32
      %sub3A_322 = arith.constant 3 : i32
      %sub3A_323 = arith.subi %add3A_321, %sub3A_322 : i32
      %mul3A_324 = arith.constant 80 : i32
      %mul3A_325 = arith.muli %sub3A_323, %mul3A_324 : i32
      %add3A_326 = arith.addi %mul3A_2, %mul3A_325 : i32
      %dma_wait3A_327 = arith.constant 0 : i32
      %dma_wait3A_328 = tpu.memref_slice %arg4[%add3A_326, %dma_wait3A_327] : memref<819200x128xf32, #tpu.memory_space<hbm>> -> memref<80x128xf32, #tpu.memory_space<hbm>>
      %dma_wait3A_329 = arith.constant 0 : i32
      %dma_wait3A_330 = tpu.memref_slice %arg4[%add3A_326, %dma_wait3A_329] : memref<819200x128xf32, #tpu.memory_space<hbm>> -> memref<80x128xf32, #tpu.memory_space<hbm>>
      tpu.wait_dma2 semaphore(%arg26 : memref<!tpu.dma_semaphore, #tpu.memory_space<semaphore_mem>>) src(%arg9 : memref<80x128xf32, #tpu.memory_space<vmem>>) dst(%dma_wait3A_330 : memref<80x128xf32, #tpu.memory_space<hbm>>)
      %add3A_331 = arith.constant 3 : i32
      %add3A_332 = arith.addi %add3A_321, %add3A_331 : i32
      %dma_start3A_333 = arith.constant 0 : i32
      %dma_start3A_334 = tpu.memref_slice %arg5[%add3A_332, %dma_start3A_333] : memref<320x80xi32, #tpu.memory_space<vmem>> -> memref<1x80xi32, #tpu.memory_space<vmem>>
      %dma_start3A_335 = tpu.memref_squeeze %dma_start3A_334 : memref<1x80xi32, #tpu.memory_space<vmem>> -> memref<80xi32, #tpu.memory_space<vmem>>
      %dma_start3A_336 = arith.constant 0 : i32
      %dma_start3A_337 = arith.constant 0 : i32
      %dma_start3A_338 = tpu.memref_slice %arg14[%dma_start3A_336, %dma_start3A_337] : memref<194x128xf32, #tpu.memory_space<vmem_shared>> -> memref<194x128xf32, #tpu.memory_space<vmem_shared>>
      tpu.enqueue_indirect_dma source(%dma_start3A_338 : memref<194x128xf32, #tpu.memory_space<vmem_shared>>) target(%arg9 : memref<80x128xf32, #tpu.memory_space<vmem>>) offsets(%dma_start3A_335 : memref<80xi32, #tpu.memory_space<vmem>>) semaphore(%arg18 : memref<!tpu.dma_semaphore, #tpu.memory_space<semaphore_mem>>)
      %dma_wait3A_339 = arith.constant 0 : i32
      %dma_wait3A_340 = tpu.memref_slice %arg5[%add3A_321, %dma_wait3A_339] : memref<320x80xi32, #tpu.memory_space<vmem>> -> memref<1x80xi32, #tpu.memory_space<vmem>>
      %dma_wait3A_341 = tpu.memref_squeeze %dma_wait3A_340 : memref<1x80xi32, #tpu.memory_space<vmem>> -> memref<80xi32, #tpu.memory_space<vmem>>
      %dma_wait3A_342 = arith.constant 0 : i32
      %dma_wait3A_343 = arith.constant 0 : i32
      %dma_wait3A_344 = tpu.memref_slice %arg14[%dma_wait3A_342, %dma_wait3A_343] : memref<194x128xf32, #tpu.memory_space<vmem_shared>> -> memref<194x128xf32, #tpu.memory_space<vmem_shared>>
      tpu.wait_indirect_dma semaphore(%arg15 : memref<!tpu.dma_semaphore, #tpu.memory_space<semaphore_mem>>) src(%dma_wait3A_344 : memref<194x128xf32, #tpu.memory_space<vmem_shared>>) dst(%arg6 : memref<80x128xf32, #tpu.memory_space<vmem>>)
      %mul3A_345 = arith.constant 80 : i32
      %mul3A_346 = arith.muli %add3A_321, %mul3A_345 : i32
      %add3A_347 = arith.addi %mul3A_2, %mul3A_346 : i32
      %dma_start3A_348 = arith.constant 0 : i32
      %dma_start3A_349 = tpu.memref_slice %arg4[%add3A_347, %dma_start3A_348] : memref<819200x128xf32, #tpu.memory_space<hbm>> -> memref<80x128xf32, #tpu.memory_space<hbm>>
      %dma_start3A_350 = arith.constant 0 : i32
      %dma_start3A_351 = tpu.memref_slice %arg4[%add3A_347, %dma_start3A_350] : memref<819200x128xf32, #tpu.memory_space<hbm>> -> memref<80x128xf32, #tpu.memory_space<hbm>>
      tpu.enqueue_dma source(%arg6 : memref<80x128xf32, #tpu.memory_space<vmem>>) target(%dma_start3A_351 : memref<80x128xf32, #tpu.memory_space<hbm>>) target_semaphore(%arg23 : memref<!tpu.dma_semaphore, #tpu.memory_space<semaphore_mem>>)
      %add3A_352 = arith.constant 4 : i32
      %add3A_353 = arith.addi %add3A_224, %add3A_352 : i32
      %sub3A_354 = arith.constant 3 : i32
      %sub3A_355 = arith.subi %add3A_353, %sub3A_354 : i32
      %mul3A_356 = arith.constant 80 : i32
      %mul3A_357 = arith.muli %sub3A_355, %mul3A_356 : i32
      %add3A_358 = arith.addi %mul3A_2, %mul3A_357 : i32
      %dma_wait3A_359 = arith.constant 0 : i32
      %dma_wait3A_360 = tpu.memref_slice %arg4[%add3A_358, %dma_wait3A_359] : memref<819200x128xf32, #tpu.memory_space<hbm>> -> memref<80x128xf32, #tpu.memory_space<hbm>>
      %dma_wait3A_361 = arith.constant 0 : i32
      %dma_wait3A_362 = tpu.memref_slice %arg4[%add3A_358, %dma_wait3A_361] : memref<819200x128xf32, #tpu.memory_space<hbm>> -> memref<80x128xf32, #tpu.memory_space<hbm>>
      tpu.wait_dma2 semaphore(%arg27 : memref<!tpu.dma_semaphore, #tpu.memory_space<semaphore_mem>>) src(%arg10 : memref<80x128xf32, #tpu.memory_space<vmem>>) dst(%dma_wait3A_362 : memref<80x128xf32, #tpu.memory_space<hbm>>)
      %add3A_363 = arith.constant 3 : i32
      %add3A_364 = arith.addi %add3A_353, %add3A_363 : i32
      %dma_start3A_365 = arith.constant 0 : i32
      %dma_start3A_366 = tpu.memref_slice %arg5[%add3A_364, %dma_start3A_365] : memref<320x80xi32, #tpu.memory_space<vmem>> -> memref<1x80xi32, #tpu.memory_space<vmem>>
      %dma_start3A_367 = tpu.memref_squeeze %dma_start3A_366 : memref<1x80xi32, #tpu.memory_space<vmem>> -> memref<80xi32, #tpu.memory_space<vmem>>
      %dma_start3A_368 = arith.constant 0 : i32
      %dma_start3A_369 = arith.constant 0 : i32
      %dma_start3A_370 = tpu.memref_slice %arg14[%dma_start3A_368, %dma_start3A_369] : memref<194x128xf32, #tpu.memory_space<vmem_shared>> -> memref<194x128xf32, #tpu.memory_space<vmem_shared>>
      tpu.enqueue_indirect_dma source(%dma_start3A_370 : memref<194x128xf32, #tpu.memory_space<vmem_shared>>) target(%arg10 : memref<80x128xf32, #tpu.memory_space<vmem>>) offsets(%dma_start3A_367 : memref<80xi32, #tpu.memory_space<vmem>>) semaphore(%arg19 : memref<!tpu.dma_semaphore, #tpu.memory_space<semaphore_mem>>)
      %dma_wait3A_371 = arith.constant 0 : i32
      %dma_wait3A_372 = tpu.memref_slice %arg5[%add3A_353, %dma_wait3A_371] : memref<320x80xi32, #tpu.memory_space<vmem>> -> memref<1x80xi32, #tpu.memory_space<vmem>>
      %dma_wait3A_373 = tpu.memref_squeeze %dma_wait3A_372 : memref<1x80xi32, #tpu.memory_space<vmem>> -> memref<80xi32, #tpu.memory_space<vmem>>
      %dma_wait3A_374 = arith.constant 0 : i32
      %dma_wait3A_375 = arith.constant 0 : i32
      %dma_wait3A_376 = tpu.memref_slice %arg14[%dma_wait3A_374, %dma_wait3A_375] : memref<194x128xf32, #tpu.memory_space<vmem_shared>> -> memref<194x128xf32, #tpu.memory_space<vmem_shared>>
      tpu.wait_indirect_dma semaphore(%arg16 : memref<!tpu.dma_semaphore, #tpu.memory_space<semaphore_mem>>) src(%dma_wait3A_376 : memref<194x128xf32, #tpu.memory_space<vmem_shared>>) dst(%arg7 : memref<80x128xf32, #tpu.memory_space<vmem>>)
      %mul3A_377 = arith.constant 80 : i32
      %mul3A_378 = arith.muli %add3A_353, %mul3A_377 : i32
      %add3A_379 = arith.addi %mul3A_2, %mul3A_378 : i32
      %dma_start3A_380 = arith.constant 0 : i32
      %dma_start3A_381 = tpu.memref_slice %arg4[%add3A_379, %dma_start3A_380] : memref<819200x128xf32, #tpu.memory_space<hbm>> -> memref<80x128xf32, #tpu.memory_space<hbm>>
      %dma_start3A_382 = arith.constant 0 : i32
      %dma_start3A_383 = tpu.memref_slice %arg4[%add3A_379, %dma_start3A_382] : memref<819200x128xf32, #tpu.memory_space<hbm>> -> memref<80x128xf32, #tpu.memory_space<hbm>>
      tpu.enqueue_dma source(%arg7 : memref<80x128xf32, #tpu.memory_space<vmem>>) target(%dma_start3A_383 : memref<80x128xf32, #tpu.memory_space<hbm>>) target_semaphore(%arg24 : memref<!tpu.dma_semaphore, #tpu.memory_space<semaphore_mem>>)
      %add3A_384 = arith.constant 5 : i32
      %add3A_385 = arith.addi %add3A_224, %add3A_384 : i32
      %sub3A_386 = arith.constant 3 : i32
      %sub3A_387 = arith.subi %add3A_385, %sub3A_386 : i32
      %mul3A_388 = arith.constant 80 : i32
      %mul3A_389 = arith.muli %sub3A_387, %mul3A_388 : i32
      %add3A_390 = arith.addi %mul3A_2, %mul3A_389 : i32
      %dma_wait3A_391 = arith.constant 0 : i32
      %dma_wait3A_392 = tpu.memref_slice %arg4[%add3A_390, %dma_wait3A_391] : memref<819200x128xf32, #tpu.memory_space<hbm>> -> memref<80x128xf32, #tpu.memory_space<hbm>>
      %dma_wait3A_393 = arith.constant 0 : i32
      %dma_wait3A_394 = tpu.memref_slice %arg4[%add3A_390, %dma_wait3A_393] : memref<819200x128xf32, #tpu.memory_space<hbm>> -> memref<80x128xf32, #tpu.memory_space<hbm>>
      tpu.wait_dma2 semaphore(%arg28 : memref<!tpu.dma_semaphore, #tpu.memory_space<semaphore_mem>>) src(%arg11 : memref<80x128xf32, #tpu.memory_space<vmem>>) dst(%dma_wait3A_394 : memref<80x128xf32, #tpu.memory_space<hbm>>)
      %add3A_395 = arith.constant 3 : i32
      %add3A_396 = arith.addi %add3A_385, %add3A_395 : i32
      %dma_start3A_397 = arith.constant 0 : i32
      %dma_start3A_398 = tpu.memref_slice %arg5[%add3A_396, %dma_start3A_397] : memref<320x80xi32, #tpu.memory_space<vmem>> -> memref<1x80xi32, #tpu.memory_space<vmem>>
      %dma_start3A_399 = tpu.memref_squeeze %dma_start3A_398 : memref<1x80xi32, #tpu.memory_space<vmem>> -> memref<80xi32, #tpu.memory_space<vmem>>
      %dma_start3A_400 = arith.constant 0 : i32
      %dma_start3A_401 = arith.constant 0 : i32
      %dma_start3A_402 = tpu.memref_slice %arg14[%dma_start3A_400, %dma_start3A_401] : memref<194x128xf32, #tpu.memory_space<vmem_shared>> -> memref<194x128xf32, #tpu.memory_space<vmem_shared>>
      tpu.enqueue_indirect_dma source(%dma_start3A_402 : memref<194x128xf32, #tpu.memory_space<vmem_shared>>) target(%arg11 : memref<80x128xf32, #tpu.memory_space<vmem>>) offsets(%dma_start3A_399 : memref<80xi32, #tpu.memory_space<vmem>>) semaphore(%arg20 : memref<!tpu.dma_semaphore, #tpu.memory_space<semaphore_mem>>)
      %dma_wait3A_403 = arith.constant 0 : i32
      %dma_wait3A_404 = tpu.memref_slice %arg5[%add3A_385, %dma_wait3A_403] : memref<320x80xi32, #tpu.memory_space<vmem>> -> memref<1x80xi32, #tpu.memory_space<vmem>>
      %dma_wait3A_405 = tpu.memref_squeeze %dma_wait3A_404 : memref<1x80xi32, #tpu.memory_space<vmem>> -> memref<80xi32, #tpu.memory_space<vmem>>
      %dma_wait3A_406 = arith.constant 0 : i32
      %dma_wait3A_407 = arith.constant 0 : i32
      %dma_wait3A_408 = tpu.memref_slice %arg14[%dma_wait3A_406, %dma_wait3A_407] : memref<194x128xf32, #tpu.memory_space<vmem_shared>> -> memref<194x128xf32, #tpu.memory_space<vmem_shared>>
      tpu.wait_indirect_dma semaphore(%arg17 : memref<!tpu.dma_semaphore, #tpu.memory_space<semaphore_mem>>) src(%dma_wait3A_408 : memref<194x128xf32, #tpu.memory_space<vmem_shared>>) dst(%arg8 : memref<80x128xf32, #tpu.memory_space<vmem>>)
      %mul3A_409 = arith.constant 80 : i32
      %mul3A_410 = arith.muli %add3A_385, %mul3A_409 : i32
      %add3A_411 = arith.addi %mul3A_2, %mul3A_410 : i32
      %dma_start3A_412 = arith.constant 0 : i32
      %dma_start3A_413 = tpu.memref_slice %arg4[%add3A_411, %dma_start3A_412] : memref<819200x128xf32, #tpu.memory_space<hbm>> -> memref<80x128xf32, #tpu.memory_space<hbm>>
      %dma_start3A_414 = arith.constant 0 : i32
      %dma_start3A_415 = tpu.memref_slice %arg4[%add3A_411, %dma_start3A_414] : memref<819200x128xf32, #tpu.memory_space<hbm>> -> memref<80x128xf32, #tpu.memory_space<hbm>>
      tpu.enqueue_dma source(%arg8 : memref<80x128xf32, #tpu.memory_space<vmem>>) target(%dma_start3A_415 : memref<80x128xf32, #tpu.memory_space<hbm>>) target_semaphore(%arg25 : memref<!tpu.dma_semaphore, #tpu.memory_space<semaphore_mem>>)
      %add3A_416 = arith.constant 6 : i32
      %add3A_417 = arith.addi %add3A_224, %add3A_416 : i32
      %sub3A_418 = arith.constant 3 : i32
      %sub3A_419 = arith.subi %add3A_417, %sub3A_418 : i32
      %mul3A_420 = arith.constant 80 : i32
      %mul3A_421 = arith.muli %sub3A_419, %mul3A_420 : i32
      %add3A_422 = arith.addi %mul3A_2, %mul3A_421 : i32
      %dma_wait3A_423 = arith.constant 0 : i32
      %dma_wait3A_424 = tpu.memref_slice %arg4[%add3A_422, %dma_wait3A_423] : memref<819200x128xf32, #tpu.memory_space<hbm>> -> memref<80x128xf32, #tpu.memory_space<hbm>>
      %dma_wait3A_425 = arith.constant 0 : i32
      %dma_wait3A_426 = tpu.memref_slice %arg4[%add3A_422, %dma_wait3A_425] : memref<819200x128xf32, #tpu.memory_space<hbm>> -> memref<80x128xf32, #tpu.memory_space<hbm>>
      tpu.wait_dma2 semaphore(%arg29 : memref<!tpu.dma_semaphore, #tpu.memory_space<semaphore_mem>>) src(%arg12 : memref<80x128xf32, #tpu.memory_space<vmem>>) dst(%dma_wait3A_426 : memref<80x128xf32, #tpu.memory_space<hbm>>)
      %add3A_427 = arith.constant 3 : i32
      %add3A_428 = arith.addi %add3A_417, %add3A_427 : i32
      %dma_start3A_429 = arith.constant 0 : i32
      %dma_start3A_430 = tpu.memref_slice %arg5[%add3A_428, %dma_start3A_429] : memref<320x80xi32, #tpu.memory_space<vmem>> -> memref<1x80xi32, #tpu.memory_space<vmem>>
      %dma_start3A_431 = tpu.memref_squeeze %dma_start3A_430 : memref<1x80xi32, #tpu.memory_space<vmem>> -> memref<80xi32, #tpu.memory_space<vmem>>
      %dma_start3A_432 = arith.constant 0 : i32
      %dma_start3A_433 = arith.constant 0 : i32
      %dma_start3A_434 = tpu.memref_slice %arg14[%dma_start3A_432, %dma_start3A_433] : memref<194x128xf32, #tpu.memory_space<vmem_shared>> -> memref<194x128xf32, #tpu.memory_space<vmem_shared>>
      tpu.enqueue_indirect_dma source(%dma_start3A_434 : memref<194x128xf32, #tpu.memory_space<vmem_shared>>) target(%arg12 : memref<80x128xf32, #tpu.memory_space<vmem>>) offsets(%dma_start3A_431 : memref<80xi32, #tpu.memory_space<vmem>>) semaphore(%arg21 : memref<!tpu.dma_semaphore, #tpu.memory_space<semaphore_mem>>)
      %dma_wait3A_435 = arith.constant 0 : i32
      %dma_wait3A_436 = tpu.memref_slice %arg5[%add3A_417, %dma_wait3A_435] : memref<320x80xi32, #tpu.memory_space<vmem>> -> memref<1x80xi32, #tpu.memory_space<vmem>>
      %dma_wait3A_437 = tpu.memref_squeeze %dma_wait3A_436 : memref<1x80xi32, #tpu.memory_space<vmem>> -> memref<80xi32, #tpu.memory_space<vmem>>
      %dma_wait3A_438 = arith.constant 0 : i32
      %dma_wait3A_439 = arith.constant 0 : i32
      %dma_wait3A_440 = tpu.memref_slice %arg14[%dma_wait3A_438, %dma_wait3A_439] : memref<194x128xf32, #tpu.memory_space<vmem_shared>> -> memref<194x128xf32, #tpu.memory_space<vmem_shared>>
      tpu.wait_indirect_dma semaphore(%arg18 : memref<!tpu.dma_semaphore, #tpu.memory_space<semaphore_mem>>) src(%dma_wait3A_440 : memref<194x128xf32, #tpu.memory_space<vmem_shared>>) dst(%arg9 : memref<80x128xf32, #tpu.memory_space<vmem>>)
      %mul3A_441 = arith.constant 80 : i32
      %mul3A_442 = arith.muli %add3A_417, %mul3A_441 : i32
      %add3A_443 = arith.addi %mul3A_2, %mul3A_442 : i32
      %dma_start3A_444 = arith.constant 0 : i32
      %dma_start3A_445 = tpu.memref_slice %arg4[%add3A_443, %dma_start3A_444] : memref<819200x128xf32, #tpu.memory_space<hbm>> -> memref<80x128xf32, #tpu.memory_space<hbm>>
      %dma_start3A_446 = arith.constant 0 : i32
      %dma_start3A_447 = tpu.memref_slice %arg4[%add3A_443, %dma_start3A_446] : memref<819200x128xf32, #tpu.memory_space<hbm>> -> memref<80x128xf32, #tpu.memory_space<hbm>>
      tpu.enqueue_dma source(%arg9 : memref<80x128xf32, #tpu.memory_space<vmem>>) target(%dma_start3A_447 : memref<80x128xf32, #tpu.memory_space<hbm>>) target_semaphore(%arg26 : memref<!tpu.dma_semaphore, #tpu.memory_space<semaphore_mem>>)
      %add3A_448 = arith.constant 7 : i32
      %add3A_449 = arith.addi %add3A_224, %add3A_448 : i32
      %sub3A_450 = arith.constant 3 : i32
      %sub3A_451 = arith.subi %add3A_449, %sub3A_450 : i32
      %mul3A_452 = arith.constant 80 : i32
      %mul3A_453 = arith.muli %sub3A_451, %mul3A_452 : i32
      %add3A_454 = arith.addi %mul3A_2, %mul3A_453 : i32
      %dma_wait3A_455 = arith.constant 0 : i32
      %dma_wait3A_456 = tpu.memref_slice %arg4[%add3A_454, %dma_wait3A_455] : memref<819200x128xf32, #tpu.memory_space<hbm>> -> memref<80x128xf32, #tpu.memory_space<hbm>>
      %dma_wait3A_457 = arith.constant 0 : i32
      %dma_wait3A_458 = tpu.memref_slice %arg4[%add3A_454, %dma_wait3A_457] : memref<819200x128xf32, #tpu.memory_space<hbm>> -> memref<80x128xf32, #tpu.memory_space<hbm>>
      tpu.wait_dma2 semaphore(%arg30 : memref<!tpu.dma_semaphore, #tpu.memory_space<semaphore_mem>>) src(%arg13 : memref<80x128xf32, #tpu.memory_space<vmem>>) dst(%dma_wait3A_458 : memref<80x128xf32, #tpu.memory_space<hbm>>)
      %add3A_459 = arith.constant 3 : i32
      %add3A_460 = arith.addi %add3A_449, %add3A_459 : i32
      %dma_start3A_461 = arith.constant 0 : i32
      %dma_start3A_462 = tpu.memref_slice %arg5[%add3A_460, %dma_start3A_461] : memref<320x80xi32, #tpu.memory_space<vmem>> -> memref<1x80xi32, #tpu.memory_space<vmem>>
      %dma_start3A_463 = tpu.memref_squeeze %dma_start3A_462 : memref<1x80xi32, #tpu.memory_space<vmem>> -> memref<80xi32, #tpu.memory_space<vmem>>
      %dma_start3A_464 = arith.constant 0 : i32
      %dma_start3A_465 = arith.constant 0 : i32
      %dma_start3A_466 = tpu.memref_slice %arg14[%dma_start3A_464, %dma_start3A_465] : memref<194x128xf32, #tpu.memory_space<vmem_shared>> -> memref<194x128xf32, #tpu.memory_space<vmem_shared>>
      tpu.enqueue_indirect_dma source(%dma_start3A_466 : memref<194x128xf32, #tpu.memory_space<vmem_shared>>) target(%arg13 : memref<80x128xf32, #tpu.memory_space<vmem>>) offsets(%dma_start3A_463 : memref<80xi32, #tpu.memory_space<vmem>>) semaphore(%arg22 : memref<!tpu.dma_semaphore, #tpu.memory_space<semaphore_mem>>)
      %dma_wait3A_467 = arith.constant 0 : i32
      %dma_wait3A_468 = tpu.memref_slice %arg5[%add3A_449, %dma_wait3A_467] : memref<320x80xi32, #tpu.memory_space<vmem>> -> memref<1x80xi32, #tpu.memory_space<vmem>>
      %dma_wait3A_469 = tpu.memref_squeeze %dma_wait3A_468 : memref<1x80xi32, #tpu.memory_space<vmem>> -> memref<80xi32, #tpu.memory_space<vmem>>
      %dma_wait3A_470 = arith.constant 0 : i32
      %dma_wait3A_471 = arith.constant 0 : i32
      %dma_wait3A_472 = tpu.memref_slice %arg14[%dma_wait3A_470, %dma_wait3A_471] : memref<194x128xf32, #tpu.memory_space<vmem_shared>> -> memref<194x128xf32, #tpu.memory_space<vmem_shared>>
      tpu.wait_indirect_dma semaphore(%arg19 : memref<!tpu.dma_semaphore, #tpu.memory_space<semaphore_mem>>) src(%dma_wait3A_472 : memref<194x128xf32, #tpu.memory_space<vmem_shared>>) dst(%arg10 : memref<80x128xf32, #tpu.memory_space<vmem>>)
      %mul3A_473 = arith.constant 80 : i32
      %mul3A_474 = arith.muli %add3A_449, %mul3A_473 : i32
      %add3A_475 = arith.addi %mul3A_2, %mul3A_474 : i32
      %dma_start3A_476 = arith.constant 0 : i32
      %dma_start3A_477 = tpu.memref_slice %arg4[%add3A_475, %dma_start3A_476] : memref<819200x128xf32, #tpu.memory_space<hbm>> -> memref<80x128xf32, #tpu.memory_space<hbm>>
      %dma_start3A_478 = arith.constant 0 : i32
      %dma_start3A_479 = tpu.memref_slice %arg4[%add3A_475, %dma_start3A_478] : memref<819200x128xf32, #tpu.memory_space<hbm>> -> memref<80x128xf32, #tpu.memory_space<hbm>>
      tpu.enqueue_dma source(%arg10 : memref<80x128xf32, #tpu.memory_space<vmem>>) target(%dma_start3A_479 : memref<80x128xf32, #tpu.memory_space<hbm>>) target_semaphore(%arg27 : memref<!tpu.dma_semaphore, #tpu.memory_space<semaphore_mem>>)
      %scan3A_480 = arith.constant 0 : i32
      scf.yield %scan3A_480 : i32
    }
    %scan3A_131 = arith.constant 39 : i32
    %dma_wait3A_132 = arith.constant 317 : i32
    %dma_wait3A_133 = arith.constant 0 : i32
    %dma_wait3A_134 = tpu.memref_slice %arg5[%dma_wait3A_132, %dma_wait3A_133] : memref<320x80xi32, #tpu.memory_space<vmem>> -> memref<1x80xi32, #tpu.memory_space<vmem>>
    %dma_wait3A_135 = tpu.memref_squeeze %dma_wait3A_134 : memref<1x80xi32, #tpu.memory_space<vmem>> -> memref<80xi32, #tpu.memory_space<vmem>>
    %dma_wait3A_136 = arith.constant 0 : i32
    %dma_wait3A_137 = arith.constant 0 : i32
    %dma_wait3A_138 = tpu.memref_slice %arg14[%dma_wait3A_136, %dma_wait3A_137] : memref<194x128xf32, #tpu.memory_space<vmem_shared>> -> memref<194x128xf32, #tpu.memory_space<vmem_shared>>
    tpu.wait_indirect_dma semaphore(%arg20 : memref<!tpu.dma_semaphore, #tpu.memory_space<semaphore_mem>>) src(%dma_wait3A_138 : memref<194x128xf32, #tpu.memory_space<vmem_shared>>) dst(%arg11 : memref<80x128xf32, #tpu.memory_space<vmem>>)
    %add3A_139 = arith.constant 25360 : i32
    %add3A_140 = arith.addi %mul3A_2, %add3A_139 : i32
    %dma_start3A_141 = arith.constant 0 : i32
    %dma_start3A_142 = tpu.memref_slice %arg4[%add3A_140, %dma_start3A_141] : memref<819200x128xf32, #tpu.memory_space<hbm>> -> memref<80x128xf32, #tpu.memory_space<hbm>>
    %dma_start3A_143 = arith.constant 0 : i32
    %dma_start3A_144 = tpu.memref_slice %arg4[%add3A_140, %dma_start3A_143] : memref<819200x128xf32, #tpu.memory_space<hbm>> -> memref<80x128xf32, #tpu.memory_space<hbm>>
    tpu.enqueue_dma source(%arg11 : memref<80x128xf32, #tpu.memory_space<vmem>>) target(%dma_start3A_144 : memref<80x128xf32, #tpu.memory_space<hbm>>) target_semaphore(%arg28 : memref<!tpu.dma_semaphore, #tpu.memory_space<semaphore_mem>>)
    %dma_wait3A_145 = arith.constant 318 : i32
    %dma_wait3A_146 = arith.constant 0 : i32
    %dma_wait3A_147 = tpu.memref_slice %arg5[%dma_wait3A_145, %dma_wait3A_146] : memref<320x80xi32, #tpu.memory_space<vmem>> -> memref<1x80xi32, #tpu.memory_space<vmem>>
    %dma_wait3A_148 = tpu.memref_squeeze %dma_wait3A_147 : memref<1x80xi32, #tpu.memory_space<vmem>> -> memref<80xi32, #tpu.memory_space<vmem>>
    %dma_wait3A_149 = arith.constant 0 : i32
    %dma_wait3A_150 = arith.constant 0 : i32
    %dma_wait3A_151 = tpu.memref_slice %arg14[%dma_wait3A_149, %dma_wait3A_150] : memref<194x128xf32, #tpu.memory_space<vmem_shared>> -> memref<194x128xf32, #tpu.memory_space<vmem_shared>>
    tpu.wait_indirect_dma semaphore(%arg21 : memref<!tpu.dma_semaphore, #tpu.memory_space<semaphore_mem>>) src(%dma_wait3A_151 : memref<194x128xf32, #tpu.memory_space<vmem_shared>>) dst(%arg12 : memref<80x128xf32, #tpu.memory_space<vmem>>)
    %add3A_152 = arith.constant 25440 : i32
    %add3A_153 = arith.addi %mul3A_2, %add3A_152 : i32
    %dma_start3A_154 = arith.constant 0 : i32
    %dma_start3A_155 = tpu.memref_slice %arg4[%add3A_153, %dma_start3A_154] : memref<819200x128xf32, #tpu.memory_space<hbm>> -> memref<80x128xf32, #tpu.memory_space<hbm>>
    %dma_start3A_156 = arith.constant 0 : i32
    %dma_start3A_157 = tpu.memref_slice %arg4[%add3A_153, %dma_start3A_156] : memref<819200x128xf32, #tpu.memory_space<hbm>> -> memref<80x128xf32, #tpu.memory_space<hbm>>
    tpu.enqueue_dma source(%arg12 : memref<80x128xf32, #tpu.memory_space<vmem>>) target(%dma_start3A_157 : memref<80x128xf32, #tpu.memory_space<hbm>>) target_semaphore(%arg29 : memref<!tpu.dma_semaphore, #tpu.memory_space<semaphore_mem>>)
    %dma_wait3A_158 = arith.constant 319 : i32
    %dma_wait3A_159 = arith.constant 0 : i32
    %dma_wait3A_160 = tpu.memref_slice %arg5[%dma_wait3A_158, %dma_wait3A_159] : memref<320x80xi32, #tpu.memory_space<vmem>> -> memref<1x80xi32, #tpu.memory_space<vmem>>
    %dma_wait3A_161 = tpu.memref_squeeze %dma_wait3A_160 : memref<1x80xi32, #tpu.memory_space<vmem>> -> memref<80xi32, #tpu.memory_space<vmem>>
    %dma_wait3A_162 = arith.constant 0 : i32
    %dma_wait3A_163 = arith.constant 0 : i32
    %dma_wait3A_164 = tpu.memref_slice %arg14[%dma_wait3A_162, %dma_wait3A_163] : memref<194x128xf32, #tpu.memory_space<vmem_shared>> -> memref<194x128xf32, #tpu.memory_space<vmem_shared>>
    tpu.wait_indirect_dma semaphore(%arg22 : memref<!tpu.dma_semaphore, #tpu.memory_space<semaphore_mem>>) src(%dma_wait3A_164 : memref<194x128xf32, #tpu.memory_space<vmem_shared>>) dst(%arg13 : memref<80x128xf32, #tpu.memory_space<vmem>>)
    %add3A_165 = arith.constant 25520 : i32
    %add3A_166 = arith.addi %mul3A_2, %add3A_165 : i32
    %dma_start3A_167 = arith.constant 0 : i32
    %dma_start3A_168 = tpu.memref_slice %arg4[%add3A_166, %dma_start3A_167] : memref<819200x128xf32, #tpu.memory_space<hbm>> -> memref<80x128xf32, #tpu.memory_space<hbm>>
    %dma_start3A_169 = arith.constant 0 : i32
    %dma_start3A_170 = tpu.memref_slice %arg4[%add3A_166, %dma_start3A_169] : memref<819200x128xf32, #tpu.memory_space<hbm>> -> memref<80x128xf32, #tpu.memory_space<hbm>>
    tpu.enqueue_dma source(%arg13 : memref<80x128xf32, #tpu.memory_space<vmem>>) target(%dma_start3A_170 : memref<80x128xf32, #tpu.memory_space<hbm>>) target_semaphore(%arg30 : memref<!tpu.dma_semaphore, #tpu.memory_space<semaphore_mem>>)
    %add3A_171 = arith.constant 24960 : i32
    %add3A_172 = arith.addi %mul3A_2, %add3A_171 : i32
    %dma_wait3A_173 = arith.constant 0 : i32
    %dma_wait3A_174 = tpu.memref_slice %arg4[%add3A_172, %dma_wait3A_173] : memref<819200x128xf32, #tpu.memory_space<hbm>> -> memref<80x128xf32, #tpu.memory_space<hbm>>
    %dma_wait3A_175 = arith.constant 0 : i32
    %dma_wait3A_176 = tpu.memref_slice %arg4[%add3A_172, %dma_wait3A_175] : memref<819200x128xf32, #tpu.memory_space<hbm>> -> memref<80x128xf32, #tpu.memory_space<hbm>>
    tpu.wait_dma2 semaphore(%arg23 : memref<!tpu.dma_semaphore, #tpu.memory_space<semaphore_mem>>) src(%arg6 : memref<80x128xf32, #tpu.memory_space<vmem>>) dst(%dma_wait3A_176 : memref<80x128xf32, #tpu.memory_space<hbm>>)
    %add3A_177 = arith.constant 25040 : i32
    %add3A_178 = arith.addi %mul3A_2, %add3A_177 : i32
    %dma_wait3A_179 = arith.constant 0 : i32
    %dma_wait3A_180 = tpu.memref_slice %arg4[%add3A_178, %dma_wait3A_179] : memref<819200x128xf32, #tpu.memory_space<hbm>> -> memref<80x128xf32, #tpu.memory_space<hbm>>
    %dma_wait3A_181 = arith.constant 0 : i32
    %dma_wait3A_182 = tpu.memref_slice %arg4[%add3A_178, %dma_wait3A_181] : memref<819200x128xf32, #tpu.memory_space<hbm>> -> memref<80x128xf32, #tpu.memory_space<hbm>>
    tpu.wait_dma2 semaphore(%arg24 : memref<!tpu.dma_semaphore, #tpu.memory_space<semaphore_mem>>) src(%arg7 : memref<80x128xf32, #tpu.memory_space<vmem>>) dst(%dma_wait3A_182 : memref<80x128xf32, #tpu.memory_space<hbm>>)
    %add3A_183 = arith.constant 25120 : i32
    %add3A_184 = arith.addi %mul3A_2, %add3A_183 : i32
    %dma_wait3A_185 = arith.constant 0 : i32
    %dma_wait3A_186 = tpu.memref_slice %arg4[%add3A_184, %dma_wait3A_185] : memref<819200x128xf32, #tpu.memory_space<hbm>> -> memref<80x128xf32, #tpu.memory_space<hbm>>
    %dma_wait3A_187 = arith.constant 0 : i32
    %dma_wait3A_188 = tpu.memref_slice %arg4[%add3A_184, %dma_wait3A_187] : memref<819200x128xf32, #tpu.memory_space<hbm>> -> memref<80x128xf32, #tpu.memory_space<hbm>>
    tpu.wait_dma2 semaphore(%arg25 : memref<!tpu.dma_semaphore, #tpu.memory_space<semaphore_mem>>) src(%arg8 : memref<80x128xf32, #tpu.memory_space<vmem>>) dst(%dma_wait3A_188 : memref<80x128xf32, #tpu.memory_space<hbm>>)
    %add3A_189 = arith.constant 25200 : i32
    %add3A_190 = arith.addi %mul3A_2, %add3A_189 : i32
    %dma_wait3A_191 = arith.constant 0 : i32
    %dma_wait3A_192 = tpu.memref_slice %arg4[%add3A_190, %dma_wait3A_191] : memref<819200x128xf32, #tpu.memory_space<hbm>> -> memref<80x128xf32, #tpu.memory_space<hbm>>
    %dma_wait3A_193 = arith.constant 0 : i32
    %dma_wait3A_194 = tpu.memref_slice %arg4[%add3A_190, %dma_wait3A_193] : memref<819200x128xf32, #tpu.memory_space<hbm>> -> memref<80x128xf32, #tpu.memory_space<hbm>>
    tpu.wait_dma2 semaphore(%arg26 : memref<!tpu.dma_semaphore, #tpu.memory_space<semaphore_mem>>) src(%arg9 : memref<80x128xf32, #tpu.memory_space<vmem>>) dst(%dma_wait3A_194 : memref<80x128xf32, #tpu.memory_space<hbm>>)
    %add3A_195 = arith.constant 25280 : i32
    %add3A_196 = arith.addi %mul3A_2, %add3A_195 : i32
    %dma_wait3A_197 = arith.constant 0 : i32
    %dma_wait3A_198 = tpu.memref_slice %arg4[%add3A_196, %dma_wait3A_197] : memref<819200x128xf32, #tpu.memory_space<hbm>> -> memref<80x128xf32, #tpu.memory_space<hbm>>
    %dma_wait3A_199 = arith.constant 0 : i32
    %dma_wait3A_200 = tpu.memref_slice %arg4[%add3A_196, %dma_wait3A_199] : memref<819200x128xf32, #tpu.memory_space<hbm>> -> memref<80x128xf32, #tpu.memory_space<hbm>>
    tpu.wait_dma2 semaphore(%arg27 : memref<!tpu.dma_semaphore, #tpu.memory_space<semaphore_mem>>) src(%arg10 : memref<80x128xf32, #tpu.memory_space<vmem>>) dst(%dma_wait3A_200 : memref<80x128xf32, #tpu.memory_space<hbm>>)
    %add3A_201 = arith.constant 25360 : i32
    %add3A_202 = arith.addi %mul3A_2, %add3A_201 : i32
    %dma_wait3A_203 = arith.constant 0 : i32
    %dma_wait3A_204 = tpu.memref_slice %arg4[%add3A_202, %dma_wait3A_203] : memref<819200x128xf32, #tpu.memory_space<hbm>> -> memref<80x128xf32, #tpu.memory_space<hbm>>
    %dma_wait3A_205 = arith.constant 0 : i32
    %dma_wait3A_206 = tpu.memref_slice %arg4[%add3A_202, %dma_wait3A_205] : memref<819200x128xf32, #tpu.memory_space<hbm>> -> memref<80x128xf32, #tpu.memory_space<hbm>>
    tpu.wait_dma2 semaphore(%arg28 : memref<!tpu.dma_semaphore, #tpu.memory_space<semaphore_mem>>) src(%arg11 : memref<80x128xf32, #tpu.memory_space<vmem>>) dst(%dma_wait3A_206 : memref<80x128xf32, #tpu.memory_space<hbm>>)
    %add3A_207 = arith.constant 25440 : i32
    %add3A_208 = arith.addi %mul3A_2, %add3A_207 : i32
    %dma_wait3A_209 = arith.constant 0 : i32
    %dma_wait3A_210 = tpu.memref_slice %arg4[%add3A_208, %dma_wait3A_209] : memref<819200x128xf32, #tpu.memory_space<hbm>> -> memref<80x128xf32, #tpu.memory_space<hbm>>
    %dma_wait3A_211 = arith.constant 0 : i32
    %dma_wait3A_212 = tpu.memref_slice %arg4[%add3A_208, %dma_wait3A_211] : memref<819200x128xf32, #tpu.memory_space<hbm>> -> memref<80x128xf32, #tpu.memory_space<hbm>>
    tpu.wait_dma2 semaphore(%arg29 : memref<!tpu.dma_semaphore, #tpu.memory_space<semaphore_mem>>) src(%arg12 : memref<80x128xf32, #tpu.memory_space<vmem>>) dst(%dma_wait3A_212 : memref<80x128xf32, #tpu.memory_space<hbm>>)
    %add3A_213 = arith.constant 25520 : i32
    %add3A_214 = arith.addi %mul3A_2, %add3A_213 : i32
    %dma_wait3A_215 = arith.constant 0 : i32
    %dma_wait3A_216 = tpu.memref_slice %arg4[%add3A_214, %dma_wait3A_215] : memref<819200x128xf32, #tpu.memory_space<hbm>> -> memref<80x128xf32, #tpu.memory_space<hbm>>
    %dma_wait3A_217 = arith.constant 0 : i32
    %dma_wait3A_218 = tpu.memref_slice %arg4[%add3A_214, %dma_wait3A_217] : memref<819200x128xf32, #tpu.memory_space<hbm>> -> memref<80x128xf32, #tpu.memory_space<hbm>>
    tpu.wait_dma2 semaphore(%arg30 : memref<!tpu.dma_semaphore, #tpu.memory_space<semaphore_mem>>) src(%arg13 : memref<80x128xf32, #tpu.memory_space<vmem>>) dst(%dma_wait3A_218 : memref<80x128xf32, #tpu.memory_space<hbm>>)
    return
  }
}

</mosaic_0001>

<sc_bundles>
// kernel: kernel.3.cloned.1.call-start
scs
__scs_entry_jumppad:
0x0: {  	(pc) =	sbr.rel $0x88, $3  }
0x1: {  	(tag) =	ssettag $0x0;
	lr =	simm.s32 $0x1  }
0x2: {  	[smem:$0x3F9F] =	sst lr;
	_ =	strace $0xD0000000  }
0x3: {  	_ = 	snop  }
0x4: {  	_ = 	snop  }
0x5: {  	_ = 	snop  }
0x6: {  	_ = 	snop  }
0x7: {  	_ = 	snop  }
__scs_overlays_trampoline_lowered:
0x8: {  	[smem:$0x3FAE] =	sst s0  }
0x9: {  	[smem:$0x3FAF] =	sst s1  }
0xa: {  	[smem:$0x3FB0] =	sst s2  }
0xb: {  	[smem:$0x3FB1] =	sst s3  }
0xc: {  	[smem:$0x3FB2] =	sst s4  }
0xd: {  	[smem:$0x3FB3] =	sst s5  }
0xe: {  	[smem:$0x3FB4] =	sst s6  }
0xf: {  	[smem:$0x3FB5] =	sst s7  }
0x10: {  	[smem:$0x3FB6] =	sst s8  }
0x11: {  	[smem:$0x3FB7] =	sst s9;
	s0 =	simm.s32 @!p0 $0x0  }
0x12: {  	s1 =	sld [smem:$0x3F9D];
	s0 =	simm.s32 @p0 $0x1  }
0x13: {  	[smem:$0x3FB8] =	sst s0;
	s0 =	simm.s32 @!p1 $0x0  }
0x14: {  	s2 =	sld [smem:$0x3F9C];
	s0 =	simm.s32 @p1 $0x1  }
0x15: {  	[smem:$0x3FB9] =	sst s0;
	s0 =	simm.s32 @!p2 $0x0  }
0x16: {  	s3 =	sld [smem:$0x3FDB];
	s0 =	simm.s32 @p2 $0x1  }
0x17: {  	s4 =	simm.s32 $0x1BF5;
	[smem:$0x3FBB] =	sst s0  }
0x18: {  	s0 =	sld [smem:$0x3F9E];
	_ =	swait.ge [sflag:s4], $0x0  }
0x19: {  	s7 =	sld [smem:$0x3F9F]  }
0x1a: {  	s8 =	sadd.s32 $0xFFFFE003, lr  }
0x1b: {  	s9 =	sadd.s32 $0xFFFFFEF7, lr;
	s5 =	simm.s32 $0xFFFFFFFF;
	p2 =	slt.u32 s8, $0xFFFFF086  }
0x1c: {  	p1 =	slt.u32 s9, $0xF7A;
	s5 =	simm.s32 @!p2 $0x0  }
0x1d: {  	s5 =	simm.s32 @p1 $0x1;
	p0 =	seq.s32 s7, s2  }
0x1e: {  	s7 =	smul.u32 @!p0 $0xF7A, s2;
	p2 =	seq.s32 @!p0 s5, $0x0  }
0x1f: {  	s9 =	smul.u32 $0xF7A, s1;
	s8 =	simm.s32 @!p0 $0x1BF5;
	p2 =	por !p2, p0  }
0x20: {  	[sflag:s8] =	ssyncset.s32 @!p0 $0xFFFFF086;
	s6 =	sadd.s32 @!p0 s3, s7;
	s7 =	simm.s32 @!p0 $0x108  }
0x21: {  	s3 =	sadd.s32 s3, s9;
	s6 =	sadd.s32 @!p0 $0x88, s6;
	s7 =	simm.s32 @p2 $0x1082  }
0x22: {  	[simem:s7], [sflag:s8] =	dma.local @!p0 [hbm:s6], $0xF7A  }
0x23: {  	s9 =	sor.u32 $0xD0000000, s2;
	s6 =	simm.s32 $0x108;
	_ =	swait.ge @!p0 [sflag:s8], $0x0  }
0x24: {  	s3 =	sadd.s32 $0x88, s3;
	s6 =	simm.s32 @!p1 $0x1082;
	[sflag:s4] =	ssyncset.s32 $0xFFFFF086  }
0x25: {  	[simem:s6], [sflag:s4] =	dma.local [hbm:s3], $0xF7A  }
0x26: {  	[smem:$0x3F9F] =	sst s1;
	(tag) =	ssettag s2;
	_ =	strace s9  }
0x27: {  	s1 =	sld [smem:$0x3FAF]  }
0x28: {  	s2 =	sld [smem:$0x3FB0]  }
0x29: {  	s4 =	sld [smem:$0x3FB2]  }
0x2a: {  	p0 =	seq.s32 s5, $0x0;
	s5 =	sld [smem:$0x3FB3]  }
0x2b: {  	s6 =	sld [smem:$0x3FB4]  }
0x2c: {  	s7 =	sld [smem:$0x3FB5]  }
0x2d: {  	s3 =	simm.s32 $0x108;
	s8 =	sld [smem:$0x3FB6]  }
0x2e: {  	s3 =	simm.s32 @!p0 $0x1082;
	s9 =	sld [smem:$0x3FB7]  }
0x2f: {  	lr =	sadd.s32 s0, s3;
	s0 =	sld [smem:$0x3FAE]  }
0x30: {  	s3 =	sld [smem:$0x3FB1]  }
0x31: {  	[smem:$0x3FBA] =	sst s10  }
0x32: {  	s10 =	sld [smem:$0x3FB8];
	_ =	sdelay $0x3  }
0x33: {  	p0 =	seq.s32 s10, $0x1;
	s10 =	sld [smem:$0x3FBA];
	_ =	sdelay $0x3  }
0x34: {  	[smem:$0x3FBA] =	sst s10  }
0x35: {  	s10 =	sld [smem:$0x3FB9];
	_ =	sdelay $0x3  }
0x36: {  	p1 =	seq.s32 s10, $0x1;
	s10 =	sld [smem:$0x3FBA];
	_ =	sdelay $0x3  }
0x37: {  	[smem:$0x3FBA] =	sst s10  }
0x38: {  	s10 =	sld [smem:$0x3FBB]  }
0x39: {  	_ = 	snop;
	(pc) =	sbr.ind lr, $3  }
0x3a: {  	_ = 	snop  }
0x3b: {  	_ = 	snop  }
0x3c: {  	p2 =	seq.s32 s10, $0x1;
	s10 =	sld [smem:$0x3FBA]  }
0x3d: {  	_ =	shalt  }
0x3e: {  	_ =	shalt  }
0x3f: {  	_ =	shalt  }
0x40: {  	_ =	shalt  }
0x41: {  	_ =	shalt  }
0x42: {  	_ =	shalt  }
0x43: {  	_ =	shalt  }
0x44: {  	_ =	shalt  }
0x45: {  	_ =	shalt  }
0x46: {  	_ =	shalt  }
0x47: {  	_ =	shalt  }
0x48: {  	_ =	shalt  }
0x49: {  	_ =	shalt  }
0x4a: {  	_ =	shalt  }
0x4b: {  	_ =	shalt  }
0x4c: {  	_ =	shalt  }
0x4d: {  	_ =	shalt  }
0x4e: {  	_ =	shalt  }
0x4f: {  	_ =	shalt  }
0x50: {  	_ =	shalt  }
0x51: {  	_ =	shalt  }
0x52: {  	_ =	shalt  }
0x53: {  	_ =	shalt  }
0x54: {  	_ =	shalt  }
0x55: {  	_ =	shalt  }
0x56: {  	_ =	shalt  }
0x57: {  	_ =	shalt  }
0x58: {  	_ =	shalt  }
0x59: {  	_ =	shalt  }
0x5a: {  	_ =	shalt  }
0x5b: {  	_ =	shalt  }
0x5c: {  	_ =	shalt  }
0x5d: {  	_ =	shalt  }
0x5e: {  	_ =	shalt  }
0x5f: {  	_ =	shalt  }
0x60: {  	_ =	shalt  }
0x61: {  	_ =	shalt  }
0x62: {  	_ =	shalt  }
0x63: {  	_ =	shalt  }
0x64: {  	_ =	shalt  }
0x65: {  	_ =	shalt  }
0x66: {  	_ =	shalt  }
0x67: {  	_ =	shalt  }
0x68: {  	_ =	shalt  }
0x69: {  	_ =	shalt  }
0x6a: {  	_ =	shalt  }
0x6b: {  	_ =	shalt  }
0x6c: {  	_ =	shalt  }
0x6d: {  	_ =	shalt  }
0x6e: {  	_ =	shalt  }
0x6f: {  	_ =	shalt  }
0x70: {  	_ =	shalt  }
0x71: {  	_ =	shalt  }
0x72: {  	_ =	shalt  }
0x73: {  	_ =	shalt  }
0x74: {  	_ =	shalt  }
0x75: {  	_ =	shalt  }
0x76: {  	_ =	shalt  }
0x77: {  	_ =	shalt  }
0x78: {  	_ =	shalt  }
0x79: {  	_ =	shalt  }
0x7a: {  	_ =	shalt  }
0x7b: {  	_ =	shalt  }
0x7c: {  	_ =	shalt  }
0x7d: {  	_ =	shalt  }
0x7e: {  	_ =	shalt  }
0x7f: {  	_ =	shalt  }
0x80: {  	_ =	shalt  }
0x81: {  	_ =	shalt  }
0x82: {  	_ =	shalt  }
0x83: {  	_ =	shalt  }
0x84: {  	_ =	shalt  }
0x85: {  	_ =	shalt  }
0x86: {  	_ =	shalt  }
0x87: {  	_ =	shalt  }
.Lfunc_end0:
.L_simem_size_0:
called_computation_lowered:
.L_overlay_start_0:
0x88: {  	s2 =	sld [smem:$0x3FD9]  }
0x89: {  	s3 =	sld [smem:$0x3FFE];
	_ =	sdelay $0x1  }
0x8a: {  	s1 =	srdreg.scid  }
0x8b: {  	s0 =	sand.u32 $0x1, s1  }
0x8c: {  	s17 =	sshll.u32 s0, $0xA;
	s2 =	sadd.s32 s3, s2  }
0x8d: {  	s2 =	sadd.s32 s2, s17  }
0x8e: {  	[smem:$0x3FC6] =	sst s2  }
0x8f: {  	_ = 	snop  }
0x90: {  	s2 =	sld [smem:$0x3FC8]  }
0x91: {  	s18 =	sld [smem:$0x3FD0];
	(tm) =	ssettm $0x1  }
0x92: {  	s4 =	sld [smem:$0x3FFB];
	_ =	sdelay $0x3  }
0x93: {  	_ =	strace s4  }
0x94: {  	s4 =	sld [smem:$0x3FFC];
	_ =	sdelay $0x3  }
0x95: {  	_ =	strace s4  }
0x96: {  	s4 =	sld [smem:$0x3FFD];
	_ =	sdelay $0x3  }
0x97: {  	_ =	strace s4  }
0x98: {  	_ =	strace $0x8FFFFFFF  }
0x99: {  	s19 =	sld [smem:$0x3FDB];
	_ =	sdelay $0x1  }
0x9a: {  	s5 =	simm.s32 $_scs_section_size  }
0x9b: {  	s6 =	simm.s32 $_size__tile_overlayer_lowered;
	s7 =	simm.s32 $_tile_overlayer_lowered  }
0x9c: {  	s22 =	simm.s32 $0x1BFF;
	s21 =	sshll.u32 s7, $0x1;
	s4 =	sadd.s32 s5, s19  }
0x9d: {  	s8 =	simm.s32 $0x0;
	s20 =	sshll.u32 s6, $0x1;
	s6 =	sadd.s32 s21, s4  }
0x9e: {  	[timem:s8], [sflag:s22] =	dma.local [hbm:s6], s20  }
0x9f: {  	_ =	swait.ge [sflag:s22], s20  }
0xa0: {  	s5 =	ssub.s32 $0x0, s20;
	[sflag:s22] =	ssyncset.done $0x0  }
0xa1: {  	[sflag:s22] =	ssyncadd.s32 s5;
	_ =	sdelay $0x1  }
0xa2: {  	s23 =	simm.s32 $0x1B8B  }
0xa3: {  	_ =	swait.ge [sflag:s23], $0x1  }
0xa4: {  	[sflag:s23] =	ssyncset.done $0x0  }
0xa5: {  	s25 =	simm.s32 $0x1B8E;
	s24 =	sld [smem:$0x3FFE];
	[sflag:s23] =	ssyncadd.s32 $0xFFFFFFFF  }
0xa6: {  	s26 =	simm.s32 $execute0_lowered;
	[smem:$0x3FD2] =	sst s25  }
0xa7: {  	s6 =	sshll.u32 s26, $0x1;
	_ =	strace $0x80000046;
	[dreg:$0x1] =	wrdreg $0xFFFFFFFF  }
0xa8: {  	s28 =	simm.s32 $_size_execute0_lowered;
	s4 =	sadd.s32 s4, s6;
	[dreg:$0x0] =	wrdreg $0x0  }
0xa9: {  	s6 =	sshll.u32 s28, $0x1;
	[dreg:$0x2] =	wrdreg s4  }
0xaa: {  	[dreg:$0x3] =	wrdreg s6  }
0xab: {  	[dreg:$0x4] =	wrdreg $0xC0  }
0xac: {  	_ =	task [dreg:s8], $0x5FFFF  }
0xad: {  	[dreg:$0x1] =	wrdreg $0xFFFFFFFF  }
0xae: {  	[dreg:$0x0] =	wrdreg $0x60  }
0xaf: {  	[dreg:$0x2] =	wrdreg s2  }
0xb0: {  	[dreg:$0x3] =	wrdreg s24  }
0xb1: {  	[dreg:$0x4] =	wrdreg s18  }
0xb2: {  	[dreg:$0x5] =	wrdreg $0x1E0000  }
0xb3: {  	[dreg:$0x6] =	wrdreg $0x9  }
0xb4: {  	_ =	task.clear_ibuf [dreg:s8], $0x7FFFF;
	_ =	strace $0x90000046  }
0xb5: {  	s29 =	simm.s32 $0x9;
	_ =	strace $0x80000048  }
0xb6: {  	_ =	swait.ge [sflag:s29], $0x1  }
0xb7: {  	[sflag:s29] =	ssyncadd.s32 $0xFFFFFFFF  }
0xb8: {  	_ =	strace $0x90000048  }
0xb9: {  	_ =	sfence  }
0xba: {  	s30 =	sld [smem:$0x0];
	_ =	sdelay $0x2  }
0xbb: {  	s31 =	sshll.u32 s1, $0xD;
	s1 =	sshrl.u32 s1, $0x2  }
0xbc: {  	s3 =	sand.u32 $0x4000, s31;
	s1 =	sadd.s32 s1, s30  }
0xbd: {  	s0 =	sor.u32 s3, s0;
	s1 =	sshll.u32 s1, $0x11  }
0xbe: {  	s0 =	sor.u32 s1, s0  }
0xbf: {  	s0 =	sadd.s32 $0x8F2B, s0  }
0xc0: {  	[sflag:s0] =	ssyncadd.remote.s32 $0x1  }
0xc1: {  	_ =	sfence.sel $0xFFFF  }
0xc2: {  	[dreg:$0x0] =	wrdreg $0xFFFFFFFF;
	(pc) =	sbr.abs _section_cstart, $3  }
0xc3: {  	[dreg:$0x1] =	wrdreg $0xFFFFFFFF  }
0xc4: {  	_ =	task.clear_ibuf [dreg:s8], $0x2FFFF;
	_ =	strace $0x9FFFFFFF  }
0xc5: {  	(tm) =	ssettm $0x7FFFFFFF  }
tec
execute0_lowered:
.L_overlay_start_1:
0x0: {  	(tag) =	ssettag $0x1  }
0x1: {  	s0 =	rddreg [dreg:$0x1]  }
0x2: {  	s1 =	rddreg [dreg:$0x2];
	s3 =	srdreg.scid  }
0x3: {  	s4 =	stileid.u32;
	s2 =	rddreg [dreg:$0x3];
	s29 =	simm.s32 $0x14000  }
0x4: {  	s30 =	simm.s32 $0x3;
	s31 =	simm.s32 $0x1B800;
	s28 =	simm.s32 $0x6  }
0x5: {  	s10 =	simm.s32 $0xD;
	s11 =	simm.s32 $0xE;
	s12 =	simm.s32 $0xF  }
0x6: {  	s13 =	simm.s32 $0x10;
	s14 =	simm.s32 $0x0;
	s5 =	sand.u32 $0x1, s3  }
0x7: {  	s6 =	sshll.u32 s4, $0x1;
	s3 =	simm.s32 $0x0;
	s22 =	smul.u32 $0xC8000, s4  }
0x8: {  	s6 =	sor.u32 s5, s6;
	s8 =	ssub.s32 $0x2, s5;
	s5 =	smul.u32 $0x64000, s5  }
0x9: {  	p0 =	sne.s32 s4, $0x0;
	[smem:$0x7FF] =	sst s3;
	s7 =	smul.u32 $0x1400, s6  }
0xa: {  	s4 =	simm.s32 $0xA;
	_ =	strace $0x80000047;
	s9 =	smul.u32 $0x64000, s6  }
0xb: {  	s16 =	sshrl.u32 s8, $0x1;
	s6 =	smul.u32 $0x320000, s6;
	s25 =	sadd.s32 s22, s1  }
0xc: {  	s22 =	simm.s32 $0xF000;
	s0 =	sadd.s32 s7, s0;
	s17 =	sadd.s32 s1, s9  }
0xd: {  	s7 =	ssub.s32 s8, s16;
	s0 =	sadd.s32 $0x400, s0;
	[dreg:$0x6] =	wrdreg s17  }
0xe: {  	s20 =	sshrl.u32 s6, $0x3;
	s18 =	sadd.s32 $0x500, s17;
	[dreg:$0x5] =	wrdreg s0  }
0xf: {  	s6 =	simm.s32 $0x7;
	s19 =	sadd.s32 $0xA00, s17;
	[dreg:$0x7] =	wrdreg s18  }
0x10: {  	s9 =	simm.s32 $0xC;
	s21 =	sadd.s32 $0xF00, s17;
	[dreg:$0x8] =	wrdreg s19  }
0x11: {  	s8 =	sadd.s32 $0x1400, s17;
	s26 =	smax.u32 s7, $0x1;
	[dreg:$0x9] =	wrdreg s21  }
0x12: {  	s17 =	simm.s32 $0x50;
	s7 =	simm.s32 $0xB;
	[dreg:$0xa] =	wrdreg s8  }
0x13: {  	s0 =	sadd.s32 s1, s20;
	[dreg:$0xe] =	wrdreg s26;
	s18 =	simm.s32 $0xA000  }
0x14: {  	s20 =	simm.s32 $0xC800;
	s26 =	simm.s32 $0x2;
	s1 =	simm.s32 $0x16800  }
0x15: {  	s21 =	simm.s32 $0x19000;
	s19 =	simm.s32 $0x9;
	s23 =	sadd.s32 $0x63100, s0  }
0x16: {  	s24 =	sadd.s32 $0x63600, s0;
	s0 =	sadd.s32 $0x63B00, s0;
	[dreg:$0xb] =	wrdreg s23  }
0x17: {  	s8 =	simm.s32 $0x8;
	[dreg:$0xd] =	wrdreg s0;
	s0 =	sadd.s32 s5, s25  }
0x18: {  	[dreg:$0xc] =	wrdreg s24;
	s23 =	simm.s32 $0x1;
	s0 =	sadd.s32 $0x1E00, s0  }
0x19: {  	s25 =	simm.s32 $0x11800;
	[dreg:$0xf] =	wrdreg s0;
	s0 =	sshrl.u32 @!p0 s2, $0x3  }
0x1a: {  	s24 =	simm.s32 $0x5;
	[dreg:$0x10] =	wrdreg s0;
	s0 =	simm.s32 $0x4  }
.LBB2_1:
0x1b: {  	[dreg:$0x11] =	wrdreg s14  }
0x1c: {  	s14 =	rddreg [dreg:$0x0]  }
0x1d: {  	s5 =	simm.s32 @!p0 $0x1C11;
	s15 =	rddreg [dreg:$0x10]  }
0x1e: {  	[spmem:s15], [sflag:s5] =	dma.local @!p0 [hbm:s14], $0xC20  }
0x1f: {  	s5 =	simm.s32 @!p0 $0x11  }
0x20: {  	_ =	swait.ge @!p0 [sflag:s5], $0xC20  }
0x21: {  	[sflag:s5] =	ssyncset.done @!p0 $0x0  }
0x22: {  	[sflag:s5] =	ssyncadd.s32 @!p0 $0xFFFFF3E0  }
0x23: {  	[bflag:$0x0] =	sbarrier.arrive $0xFFFF  }
0x24: {  	s14 =	simm.s32 $0x11;
	s16 =	rddreg [dreg:$0x5]  }
0x25: {  	[tilespmem:s3], [sflag:$0x11] =	stream.linear.gather [hbm4b:s16+s3], $0xA000, $0x38;
	[tilespmem:$0x1E610] =	vst v63  }
0x26: {  	_ =	swait.ge [sflag:s14], $0xA000  }
0x27: {  	[sflag:s14] =	ssyncset.done $0x0  }
0x28: {  	[sflag:s14] =	ssyncadd.s32 $0xFFFF6000  }
0x29: {  	[tilespmem:s18], [sflag:$0x1] =	stream.indirect.gather [spmem:s2], $0x80, s3, s17, $0xb8;
	[tilespmem:$0x1E610] =	vst v63  }
0x2a: {  	s15 =	simm.s32 $0x80  }
0x2b: {  	[tilespmem:s20], [sflag:$0x2] =	stream.indirect.gather [spmem:s2], $0x80, s15, s17, $0xb8;
	[tilespmem:$0x1E610] =	vst v63  }
0x2c: {  	s16 =	simm.s32 $0x100  }
0x2d: {  	[tilespmem:s22], [sflag:$0x3] =	stream.indirect.gather [spmem:s2], $0x80, s16, s17, $0xb8;
	[tilespmem:$0x1E610] =	vst v63  }
0x2e: {  	_ =	swait.ge [sflag:s23], $0x2800  }
0x2f: {  	[sflag:s23] =	ssyncset.done $0x0  }
0x30: {  	s14 =	rddreg [dreg:$0x6];
	[sflag:s23] =	ssyncadd.s32 $0xFFFFD800  }
0x31: {  	[hbm4b:s14+s3] =	stream.linear.scatter [tilespmem:s18], [sflag:$0x9], $0x2800, $0x38;
	[tilespmem:$0x1E610] =	vst v63  }
0x32: {  	s15 =	simm.s32 $0x180  }
0x33: {  	[tilespmem:s25], [sflag:$0x4] =	stream.indirect.gather [spmem:s2], $0x80, s15, s17, $0xb8;
	[tilespmem:$0x1E610] =	vst v63  }
0x34: {  	_ =	swait.ge [sflag:s26], $0x2800  }
0x35: {  	[sflag:s26] =	ssyncset.done $0x0  }
0x36: {  	s16 =	rddreg [dreg:$0x7];
	[sflag:s26] =	ssyncadd.s32 $0xFFFFD800  }
0x37: {  	[hbm4b:s16+s3] =	stream.linear.scatter [tilespmem:s20], [sflag:$0xA], $0x2800, $0x38;
	[tilespmem:$0x1E610] =	vst v63  }
0x38: {  	s14 =	simm.s32 $0x200  }
0x39: {  	[tilespmem:s29], [sflag:$0x5] =	stream.indirect.gather [spmem:s2], $0x80, s14, s17, $0xb8;
	[tilespmem:$0x1E610] =	vst v63  }
0x3a: {  	_ =	swait.ge [sflag:s30], $0x2800  }
0x3b: {  	[sflag:s30] =	ssyncset.done $0x0  }
0x3c: {  	s15 =	rddreg [dreg:$0x8];
	[sflag:s30] =	ssyncadd.s32 $0xFFFFD800  }
0x3d: {  	[hbm4b:s15+s3] =	stream.linear.scatter [tilespmem:s22], [sflag:$0xB], $0x2800, $0x38;
	[tilespmem:$0x1E610] =	vst v63  }
0x3e: {  	s16 =	simm.s32 $0x280  }
0x3f: {  	[tilespmem:s1], [sflag:$0x6] =	stream.indirect.gather [spmem:s2], $0x80, s16, s17, $0xb8;
	[tilespmem:$0x1E610] =	vst v63  }
0x40: {  	_ =	swait.ge [sflag:s0], $0x2800  }
0x41: {  	[sflag:s0] =	ssyncset.done $0x0  }
0x42: {  	s14 =	rddreg [dreg:$0x9];
	[sflag:s0] =	ssyncadd.s32 $0xFFFFD800  }
0x43: {  	[hbm4b:s14+s3] =	stream.linear.scatter [tilespmem:s25], [sflag:$0xC], $0x2800, $0x38;
	[tilespmem:$0x1E610] =	vst v63  }
0x44: {  	s15 =	simm.s32 $0x300  }
0x45: {  	[tilespmem:s21], [sflag:$0x7] =	stream.indirect.gather [spmem:s2], $0x80, s15, s17, $0xb8;
	[tilespmem:$0x1E610] =	vst v63  }
0x46: {  	_ =	swait.ge [sflag:s24], $0x2800  }
0x47: {  	[sflag:s24] =	ssyncset.done $0x0  }
0x48: {  	s16 =	rddreg [dreg:$0xa];
	[sflag:s24] =	ssyncadd.s32 $0xFFFFD800  }
0x49: {  	[hbm4b:s16+s3] =	stream.linear.scatter [tilespmem:s29], [sflag:$0xD], $0x2800, $0x38;
	[tilespmem:$0x1E610] =	vst v63  }
0x4a: {  	s14 =	simm.s32 $0x380  }
0x4b: {  	[tilespmem:s31], [sflag:$0x8] =	stream.indirect.gather [spmem:s2], $0x80, s14, s17, $0xb8;
	[tilespmem:$0x1E610] =	vst v63  }
0x4c: {  	_ =	swait.ge [sflag:s19], $0x2800  }
0x4d: {  	[sflag:s19] =	ssyncset.done $0x0  }
0x4e: {  	s15 =	simm.s32 $0x400;
	[sflag:s19] =	ssyncadd.s32 $0xFFFFD800  }
0x4f: {  	[tilespmem:s18], [sflag:$0x1] =	stream.indirect.gather [spmem:s2], $0x80, s15, s17, $0xb8;
	[tilespmem:$0x1E610] =	vst v63  }
0x50: {  	_ =	swait.ge [sflag:s28], $0x2800  }
0x51: {  	[sflag:s28] =	ssyncset.done $0x0;
	s14 =	rddreg [dreg:$0xf]  }
0x52: {  	[sflag:s28] =	ssyncadd.s32 $0xFFFFD800;
	s16 =	sadd.s32 $0xFFFFFB00, s14  }
0x53: {  	[hbm4b:s16+s3] =	stream.linear.scatter [tilespmem:s1], [sflag:$0xE], $0x2800, $0x38;
	[tilespmem:$0x1E610] =	vst v63  }
0x54: {  	_ =	swait.ge [sflag:s4], $0x2800  }
0x55: {  	[sflag:s4] =	ssyncset.done $0x0  }
0x56: {  	s15 =	simm.s32 $0x480;
	[sflag:s4] =	ssyncadd.s32 $0xFFFFD800  }
0x57: {  	[tilespmem:s20], [sflag:$0x2] =	stream.indirect.gather [spmem:s2], $0x80, s15, s17, $0xb8;
	[tilespmem:$0x1E610] =	vst v63  }
0x58: {  	_ =	swait.ge [sflag:s6], $0x2800  }
0x59: {  	[sflag:s6] =	ssyncset.done $0x0  }
0x5a: {  	[sflag:s6] =	ssyncadd.s32 $0xFFFFD800  }
0x5b: {  	[hbm4b:s14+s3] =	stream.linear.scatter [tilespmem:s21], [sflag:$0xF], $0x2800, $0x38;
	[tilespmem:$0x1E610] =	vst v63  }
0x5c: {  	_ =	swait.ge [sflag:s7], $0x2800  }
0x5d: {  	[sflag:s7] =	ssyncset.done $0x0  }
0x5e: {  	s16 =	simm.s32 $0x500;
	[sflag:s7] =	ssyncadd.s32 $0xFFFFD800  }
0x5f: {  	[tilespmem:s22], [sflag:$0x3] =	stream.indirect.gather [spmem:s2], $0x80, s16, s17, $0xb8;
	[tilespmem:$0x1E610] =	vst v63  }
0x60: {  	_ =	swait.ge [sflag:s8], $0x2800  }
0x61: {  	[sflag:s8] =	ssyncset.done $0x0  }
0x62: {  	s15 =	sadd.s32 $0x500, s14;
	[sflag:s8] =	ssyncadd.s32 $0xFFFFD800  }
0x63: {  	[hbm4b:s15+s3] =	stream.linear.scatter [tilespmem:s31], [sflag:$0x10], $0x2800, $0x38;
	[tilespmem:$0x1E610] =	vst v63  }
0x64: {  	_ =	swait.ge [sflag:s9], $0x2800  }
0x65: {  	[sflag:s9] =	ssyncset.done $0x0  }
0x66: {  	s16 =	simm.s32 $0x580;
	[sflag:s9] =	ssyncadd.s32 $0xFFFFD800  }
0x67: {  	[tilespmem:s25], [sflag:$0x4] =	stream.indirect.gather [spmem:s2], $0x80, s16, s17, $0xb8;
	[tilespmem:$0x1E610] =	vst v63  }
0x68: {  	_ =	swait.ge [sflag:s23], $0x2800  }
0x69: {  	[sflag:s23] =	ssyncset.done $0x0  }
0x6a: {  	s15 =	sadd.s32 $0xA00, s14;
	[sflag:s23] =	ssyncadd.s32 $0xFFFFD800  }
0x6b: {  	[hbm4b:s15+s3] =	stream.linear.scatter [tilespmem:s18], [sflag:$0x9], $0x2800, $0x38;
	[tilespmem:$0x1E610] =	vst v63  }
0x6c: {  	_ =	swait.ge [sflag:s10], $0x2800  }
0x6d: {  	[sflag:s10] =	ssyncset.done $0x0  }
0x6e: {  	s16 =	simm.s32 $0x600;
	[sflag:s10] =	ssyncadd.s32 $0xFFFFD800  }
0x6f: {  	[tilespmem:s29], [sflag:$0x5] =	stream.indirect.gather [spmem:s2], $0x80, s16, s17, $0xb8;
	[tilespmem:$0x1E610] =	vst v63  }
0x70: {  	_ =	swait.ge [sflag:s26], $0x2800  }
0x71: {  	[sflag:s26] =	ssyncset.done $0x0  }
0x72: {  	s15 =	sadd.s32 $0xF00, s14;
	[sflag:s26] =	ssyncadd.s32 $0xFFFFD800  }
0x73: {  	[hbm4b:s15+s3] =	stream.linear.scatter [tilespmem:s20], [sflag:$0xA], $0x2800, $0x38;
	[tilespmem:$0x1E610] =	vst v63  }
0x74: {  	_ =	swait.ge [sflag:s11], $0x2800  }
0x75: {  	[sflag:s11] =	ssyncset.done $0x0  }
0x76: {  	s16 =	simm.s32 $0x680;
	[sflag:s11] =	ssyncadd.s32 $0xFFFFD800  }
0x77: {  	[tilespmem:s1], [sflag:$0x6] =	stream.indirect.gather [spmem:s2], $0x80, s16, s17, $0xb8;
	[tilespmem:$0x1E610] =	vst v63  }
0x78: {  	_ =	swait.ge [sflag:s30], $0x2800  }
0x79: {  	[sflag:s30] =	ssyncset.done $0x0  }
0x7a: {  	s15 =	sadd.s32 $0x1400, s14;
	[sflag:s30] =	ssyncadd.s32 $0xFFFFD800  }
0x7b: {  	[hbm4b:s15+s3] =	stream.linear.scatter [tilespmem:s22], [sflag:$0xB], $0x2800, $0x38;
	[tilespmem:$0x1E610] =	vst v63  }
0x7c: {  	_ =	swait.ge [sflag:s12], $0x2800  }
0x7d: {  	[sflag:s12] =	ssyncset.done $0x0  }
0x7e: {  	s16 =	simm.s32 $0x700;
	[sflag:s12] =	ssyncadd.s32 $0xFFFFD800  }
0x7f: {  	[tilespmem:s21], [sflag:$0x7] =	stream.indirect.gather [spmem:s2], $0x80, s16, s17, $0xb8;
	[tilespmem:$0x1E610] =	vst v63  }
0x80: {  	_ =	swait.ge [sflag:s0], $0x2800  }
0x81: {  	[sflag:s0] =	ssyncset.done $0x0  }
0x82: {  	s15 =	sadd.s32 $0x1900, s14;
	[sflag:s0] =	ssyncadd.s32 $0xFFFFD800  }
0x83: {  	[hbm4b:s15+s3] =	stream.linear.scatter [tilespmem:s25], [sflag:$0xC], $0x2800, $0x38;
	[tilespmem:$0x1E610] =	vst v63  }
0x84: {  	_ =	swait.ge [sflag:s13], $0x2800  }
0x85: {  	[sflag:s13] =	ssyncset.done $0x0  }
0x86: {  	s16 =	simm.s32 $0x780;
	[sflag:s13] =	ssyncadd.s32 $0xFFFFD800  }
0x87: {  	[tilespmem:s31], [sflag:$0x8] =	stream.indirect.gather [spmem:s2], $0x80, s16, s17, $0xb8;
	[tilespmem:$0x1E610] =	vst v63  }
0x88: {  	_ =	swait.ge [sflag:s24], $0x2800  }
0x89: {  	s5 =	simm.s32 $0x1000;
	[sflag:s24] =	ssyncset.done $0x0  }
0x8a: {  	s15 =	sadd.s32 $0x1E00, s14;
	s16 =	sadd.s32 $0x2800, s14;
	[sflag:s24] =	ssyncadd.s32 $0xFFFFD800  }
.LBB2_2:
0x8b: {  	[hbm4b:s15+s3] =	stream.linear.scatter [tilespmem:s29], [sflag:$0xD], $0x2800, $0x38;
	[tilespmem:$0x1E610] =	vst v63  }
0x8c: {  	s15 =	smov.u32 s5  }
0x8d: {  	p1 =	sne.s32 s5, $0x26000;
	s5 =	sadd.s32 $0x1000, s5;
	_ =	swait.ge [sflag:s19], $0x2800  }
0x8e: {  	s15 =	sshra.s32 s15, $0x2;
	[sflag:s19] =	ssyncset.done $0x0  }
0x8f: {  	s14 =	sadd.s32 $0x400, s15;
	[sflag:s19] =	ssyncadd.s32 $0xFFFFD800  }
0x90: {  	[tilespmem:s18], [sflag:$0x1] =	stream.indirect.gather [spmem:s2], $0x80, s14, s17, $0xb8;
	[tilespmem:$0x1E610] =	vst v63  }
0x91: {  	_ =	swait.ge [sflag:s28], $0x2800  }
0x92: {  	[sflag:s28] =	ssyncset.done $0x0  }
0x93: {  	s14 =	sadd.s32 $0xFFFFFB00, s16;
	[sflag:s28] =	ssyncadd.s32 $0xFFFFD800  }
0x94: {  	[hbm4b:s14+s3] =	stream.linear.scatter [tilespmem:s1], [sflag:$0xE], $0x2800, $0x38;
	[tilespmem:$0x1E610] =	vst v63  }
0x95: {  	_ =	swait.ge [sflag:s4], $0x2800  }
0x96: {  	[sflag:s4] =	ssyncset.done $0x0  }
0x97: {  	s14 =	sadd.s32 $0x480, s15;
	[sflag:s4] =	ssyncadd.s32 $0xFFFFD800  }
0x98: {  	[tilespmem:s20], [sflag:$0x2] =	stream.indirect.gather [spmem:s2], $0x80, s14, s17, $0xb8;
	[tilespmem:$0x1E610] =	vst v63  }
0x99: {  	_ =	swait.ge [sflag:s6], $0x2800  }
0x9a: {  	[sflag:s6] =	ssyncset.done $0x0  }
0x9b: {  	[sflag:s6] =	ssyncadd.s32 $0xFFFFD800  }
0x9c: {  	[hbm4b:s16+s3] =	stream.linear.scatter [tilespmem:s21], [sflag:$0xF], $0x2800, $0x38;
	[tilespmem:$0x1E610] =	vst v63  }
0x9d: {  	_ =	swait.ge [sflag:s7], $0x2800  }
0x9e: {  	[sflag:s7] =	ssyncset.done $0x0  }
0x9f: {  	s14 =	sadd.s32 $0x500, s15;
	[sflag:s7] =	ssyncadd.s32 $0xFFFFD800  }
0xa0: {  	[tilespmem:s22], [sflag:$0x3] =	stream.indirect.gather [spmem:s2], $0x80, s14, s17, $0xb8;
	[tilespmem:$0x1E610] =	vst v63  }
0xa1: {  	_ =	swait.ge [sflag:s8], $0x2800  }
0xa2: {  	[sflag:s8] =	ssyncset.done $0x0  }
0xa3: {  	s14 =	sadd.s32 $0x500, s16;
	[sflag:s8] =	ssyncadd.s32 $0xFFFFD800  }
0xa4: {  	[hbm4b:s14+s3] =	stream.linear.scatter [tilespmem:s31], [sflag:$0x10], $0x2800, $0x38;
	[tilespmem:$0x1E610] =	vst v63  }
0xa5: {  	_ =	swait.ge [sflag:s9], $0x2800  }
0xa6: {  	[sflag:s9] =	ssyncset.done $0x0  }
0xa7: {  	s14 =	sadd.s32 $0x580, s15;
	[sflag:s9] =	ssyncadd.s32 $0xFFFFD800  }
0xa8: {  	[tilespmem:s25], [sflag:$0x4] =	stream.indirect.gather [spmem:s2], $0x80, s14, s17, $0xb8;
	[tilespmem:$0x1E610] =	vst v63  }
0xa9: {  	_ =	swait.ge [sflag:s23], $0x2800  }
0xaa: {  	[sflag:s23] =	ssyncset.done $0x0  }
0xab: {  	s14 =	sadd.s32 $0xA00, s16;
	[sflag:s23] =	ssyncadd.s32 $0xFFFFD800  }
0xac: {  	[hbm4b:s14+s3] =	stream.linear.scatter [tilespmem:s18], [sflag:$0x9], $0x2800, $0x38;
	[tilespmem:$0x1E610] =	vst v63  }
0xad: {  	_ =	swait.ge [sflag:s10], $0x2800  }
0xae: {  	[sflag:s10] =	ssyncset.done $0x0  }
0xaf: {  	s14 =	sadd.s32 $0x600, s15;
	[sflag:s10] =	ssyncadd.s32 $0xFFFFD800  }
0xb0: {  	[tilespmem:s29], [sflag:$0x5] =	stream.indirect.gather [spmem:s2], $0x80, s14, s17, $0xb8;
	[tilespmem:$0x1E610] =	vst v63  }
0xb1: {  	_ =	swait.ge [sflag:s26], $0x2800  }
0xb2: {  	[sflag:s26] =	ssyncset.done $0x0  }
0xb3: {  	s14 =	sadd.s32 $0xF00, s16;
	[sflag:s26] =	ssyncadd.s32 $0xFFFFD800  }
0xb4: {  	[hbm4b:s14+s3] =	stream.linear.scatter [tilespmem:s20], [sflag:$0xA], $0x2800, $0x38;
	[tilespmem:$0x1E610] =	vst v63  }
0xb5: {  	_ =	swait.ge [sflag:s11], $0x2800  }
0xb6: {  	[sflag:s11] =	ssyncset.done $0x0  }
0xb7: {  	s14 =	sadd.s32 $0x680, s15;
	[sflag:s11] =	ssyncadd.s32 $0xFFFFD800  }
0xb8: {  	[tilespmem:s1], [sflag:$0x6] =	stream.indirect.gather [spmem:s2], $0x80, s14, s17, $0xb8;
	[tilespmem:$0x1E610] =	vst v63  }
0xb9: {  	_ =	swait.ge [sflag:s30], $0x2800  }
0xba: {  	[sflag:s30] =	ssyncset.done $0x0  }
0xbb: {  	s14 =	sadd.s32 $0x1400, s16;
	[sflag:s30] =	ssyncadd.s32 $0xFFFFD800  }
0xbc: {  	[hbm4b:s14+s3] =	stream.linear.scatter [tilespmem:s22], [sflag:$0xB], $0x2800, $0x38;
	[tilespmem:$0x1E610] =	vst v63  }
0xbd: {  	_ =	swait.ge [sflag:s12], $0x2800  }
0xbe: {  	[sflag:s12] =	ssyncset.done $0x0  }
0xbf: {  	s14 =	sadd.s32 $0x700, s15;
	[sflag:s12] =	ssyncadd.s32 $0xFFFFD800  }
0xc0: {  	[tilespmem:s21], [sflag:$0x7] =	stream.indirect.gather [spmem:s2], $0x80, s14, s17, $0xb8;
	[tilespmem:$0x1E610] =	vst v63  }
0xc1: {  	_ =	swait.ge [sflag:s0], $0x2800  }
0xc2: {  	[sflag:s0] =	ssyncset.done $0x0  }
0xc3: {  	s14 =	sadd.s32 $0x1900, s16;
	[sflag:s0] =	ssyncadd.s32 $0xFFFFD800  }
0xc4: {  	[hbm4b:s14+s3] =	stream.linear.scatter [tilespmem:s25], [sflag:$0xC], $0x2800, $0x38;
	[tilespmem:$0x1E610] =	vst v63  }
0xc5: {  	_ =	swait.ge [sflag:s13], $0x2800  }
0xc6: {  	[sflag:s13] =	ssyncset.done $0x0  }
.Ltmp0:
0xc7: {  	s14 =	sadd.s32 $0x780, s15;
	[sflag:s13] =	ssyncadd.s32 $0xFFFFD800;
	(pc) =	sbr.rel @p1 .LBB2_2-.Ltmp0, $4  }
0xc8: {  	[tilespmem:s31], [sflag:$0x8] =	stream.indirect.gather [spmem:s2], $0x80, s14, s17, $0xb8;
	[tilespmem:$0x1E610] =	vst v63  }
0xc9: {  	_ =	swait.ge [sflag:s24], $0x2800  }
0xca: {  	[sflag:s24] =	ssyncset.done $0x0  }
0xcb: {  	s15 =	sadd.s32 $0x1E00, s16;
	s16 =	sadd.s32 $0x2800, s16;
	[sflag:s24] =	ssyncadd.s32 $0xFFFFD800  }
0xcc: {  	[hbm4b:s15+s3] =	stream.linear.scatter [tilespmem:s29], [sflag:$0xD], $0x2800, $0x38;
	[tilespmem:$0x1E610] =	vst v63  }
0xcd: {  	_ =	swait.ge [sflag:s28], $0x2800  }
0xce: {  	[sflag:s28] =	ssyncset.done $0x0  }
0xcf: {  	s5 =	rddreg [dreg:$0xb];
	[sflag:s28] =	ssyncadd.s32 $0xFFFFD800  }
0xd0: {  	[hbm4b:s5+s3] =	stream.linear.scatter [tilespmem:s1], [sflag:$0xE], $0x2800, $0x38;
	[tilespmem:$0x1E610] =	vst v63  }
0xd1: {  	_ =	swait.ge [sflag:s6], $0x2800  }
0xd2: {  	[sflag:s6] =	ssyncset.done $0x0  }
0xd3: {  	s14 =	rddreg [dreg:$0xc];
	[sflag:s6] =	ssyncadd.s32 $0xFFFFD800  }
0xd4: {  	[hbm4b:s14+s3] =	stream.linear.scatter [tilespmem:s21], [sflag:$0xF], $0x2800, $0x38;
	[tilespmem:$0x1E610] =	vst v63  }
0xd5: {  	_ =	swait.ge [sflag:s8], $0x2800  }
0xd6: {  	[sflag:s8] =	ssyncset.done $0x0  }
0xd7: {  	s15 =	rddreg [dreg:$0xd];
	[sflag:s8] =	ssyncadd.s32 $0xFFFFD800  }
0xd8: {  	[hbm4b:s15+s3] =	stream.linear.scatter [tilespmem:s31], [sflag:$0x10], $0x2800, $0x38;
	[tilespmem:$0x1E610] =	vst v63  }
0xd9: {  	_ =	swait.ge [sflag:s19], $0x2800  }
0xda: {  	[sflag:s19] =	ssyncset.done $0x0  }
0xdb: {  	[sflag:s19] =	ssyncadd.s32 $0xFFFFD800  }
0xdc: {  	_ =	swait.ge [sflag:s4], $0x2800  }
0xdd: {  	[sflag:s4] =	ssyncset.done $0x0  }
0xde: {  	[sflag:s4] =	ssyncadd.s32 $0xFFFFD800  }
0xdf: {  	_ =	swait.ge [sflag:s7], $0x2800  }
0xe0: {  	[sflag:s7] =	ssyncset.done $0x0  }
0xe1: {  	[sflag:s7] =	ssyncadd.s32 $0xFFFFD800  }
0xe2: {  	_ =	swait.ge [sflag:s9], $0x2800  }
0xe3: {  	[sflag:s9] =	ssyncset.done $0x0  }
0xe4: {  	[sflag:s9] =	ssyncadd.s32 $0xFFFFD800  }
0xe5: {  	_ =	swait.ge [sflag:s10], $0x2800  }
0xe6: {  	[sflag:s10] =	ssyncset.done $0x0  }
0xe7: {  	[sflag:s10] =	ssyncadd.s32 $0xFFFFD800  }
0xe8: {  	_ =	swait.ge [sflag:s11], $0x2800  }
0xe9: {  	[sflag:s11] =	ssyncset.done $0x0  }
0xea: {  	[sflag:s11] =	ssyncadd.s32 $0xFFFFD800  }
0xeb: {  	_ =	swait.ge [sflag:s12], $0x2800  }
0xec: {  	[sflag:s12] =	ssyncset.done $0x0  }
0xed: {  	[sflag:s12] =	ssyncadd.s32 $0xFFFFD800  }
0xee: {  	_ =	swait.ge [sflag:s13], $0x2800  }
0xef: {  	s14 =	rddreg [dreg:$0x11]  }
0xf0: {  	s16 =	rddreg [dreg:$0xe];
	s14 =	sadd.s32 $0x1, s14  }
0xf1: {  	p1 =	sne.s32 s14, s16  }
.Ltmp1:
0xf2: {  	_ = 	snop;
	(pc) =	sbr.rel @p1 .LBB2_1-.Ltmp1, $3  }
0xf3: {  	_ =	sdelay $0x1  }
0xf4: {  	[sflag:s13] =	ssyncset.done $0x0  }
0xf5: {  	[sflag:s13] =	ssyncadd.s32 $0xFFFFD800  }
0xf6: {  	_ =	sfence.sel $0x180000  }
0xf7: {  	[bflag:$0x0] =	sbarrier.arrive $0xFFFF  }
0xf8: {  	_ =	strace $0x90000047  }
0xf9: {  	[bflag:$0x2] =	sbarrier.arrive $0xFFFF  }
0xfa: {  	s0 =	rddreg [dreg:$0x4]  }
0xfb: {  	s0 =	sadd.s32 @!p0 $0x100000, s0  }
0xfc: {  	[sflag:s0] =	ssyncadd.tile.s32 @!p0 $0x1;
	_ =	shalt  }
.Lfunc_end2:
_tile_overlayer_lowered:
.L_overlay_start_2:
0xfd: {  	(tag) =	ssettag $0x2  }
0xfe: {  	s0 =	rddreg [dreg:$0x0];
	s2 =	stileid.u32  }
0xff: {  	s1 =	rddreg [dreg:$0x1];
	p0 =	sne.s32 s2, $0x0  }
0x100: {  	s3 =	rddreg [dreg:$0x2];
	[bflag:$0x3] =	sbarrier.arrive $0xFFFF;
	s2 =	simm.s32 @!p0 $0x1C11  }
0x101: {  	[timem:s3], [sflag:s2] =	dma.local @!p0 [hbm:s0], s1  }
0x102: {  	s0 =	simm.s32 @!p0 $0x11  }
0x103: {  	_ =	swait.ge @!p0 [sflag:s0], s1  }
0x104: {  	s1 =	ssub.s32 @!p0 $0x0, s1;
	[sflag:s0] =	ssyncset.done @!p0 $0x0  }
0x105: {  	[sflag:s0] =	ssyncadd.s32 @!p0 s1  }
0x106: {  	[bflag:$0x3] =	sbarrier.arrive $0xFFFF  }
0x107: {  	_ =	shalt  }

</sc_bundles>
